<compile_context>
chip_gen: v7x
topology: tpu7x:2x2x1
jax: 0.10.2.dev20260603
libtpu: 0.0.44.dev20260713+nightly
codegen_flags: <defaults>
</compile_context>

<pallas_src>
import functools

import jax
import jax.numpy as jnp
from jax import lax
from jax.experimental import pallas as pl
from jax.experimental.pallas import tpu as pltpu
from jax.experimental.pallas import tpu_sc as plsc

VOCAB = 1000
BATCH = 1024
SEQ_LEN = 50
TOKENS = BATCH * SEQ_LEN

NUM_CORES = 2
NUM_SUBCORES = 16
NW = NUM_CORES * NUM_SUBCORES
LANES = 16

NCB = 8
CB = BATCH // NCB
NVQ = 4
VN = 256
VSTEP = (VOCAB - VN) // (NVQ - 1)
BGROUPS = CB // LANES
NBUF = 2

_mesh = plsc.VectorSubcoreMesh(core_axis_name="c", subcore_axis_name="s")


@functools.partial(
    pl.kernel,
    mesh=_mesh,
    out_type=jax.ShapeDtypeStruct((SEQ_LEN, VOCAB, BATCH), jnp.float32),
    scratch_types=[
        pltpu.VMEM((SEQ_LEN, CB), jnp.int32),
    ]
    + [pltpu.VMEM((VN, CB), jnp.float32) for _ in range(NBUF)]
    + [pltpu.SemaphoreType.DMA] * NBUF,
    compiler_params=pltpu.CompilerParams(needs_layout_passes=False),
)
def _onehot_sc(idx_hbm, out_hbm, idx_v, *bufs_and_sems):
    bufs = bufs_and_sems[:NBUF]
    sems = bufs_and_sems[NBUF:]
    cid = lax.axis_index("c")
    sid = lax.axis_index("s")
    wid = sid * NUM_CORES + cid
    cb = wid % NCB
    vlo = (wid // NCB) * VSTEP

    pltpu.sync_copy(idx_hbm.at[:, pl.ds(cb * CB, CB)], idx_v)

    lanes = lax.iota(jnp.int32, 16)
    ones = jnp.ones((LANES,), jnp.float32)
    zeros = jnp.zeros((LANES,), jnp.float32)

    for buf in bufs:
        def zero_row(r, c, buf=buf):
            for j in range(CB // LANES):
                buf[r, pl.ds(j * LANES, LANES)] = zeros
            return c

        lax.fori_loop(0, VN, zero_row, 0)

    def scatter_slab(buf, s, vals):
        for g in range(BGROUPS):
            bloc = g * LANES + lanes
            v = idx_v[s, pl.ds(g * LANES, LANES)]
            vloc = v - vlo
            mask = (vloc >= 0) & (vloc < VN)
            plsc.store_scatter(buf, [vloc, bloc], vals, mask=mask)

    def dma(r, s):
        return pltpu.make_async_copy(
            bufs[r],
            out_hbm.at[s, pl.ds(vlo, VN), pl.ds(cb * CB, CB)],
            sems[r],
        )

    def pair_body(p, c):
        for r in range(NBUF):
            s = p * NBUF + r

            @pl.when(p > 0)
            def _():
                dma(r, s - NBUF).wait()
                scatter_slab(bufs[r], s - NBUF, zeros)

            scatter_slab(bufs[r], s, ones)
            dma(r, s).start()
        return c

    lax.fori_loop(0, SEQ_LEN // NBUF, pair_body, 0)

    for r in range(NBUF):
        dma(r, SEQ_LEN - NBUF + r).wait()


def kernel(indices, table):
    del table
    out_t = _onehot_sc(indices.T)
    return jnp.transpose(out_t, (2, 0, 1))

# --- scband reference (transcript-rebuilt; emitter-appended) ---
"""Pipeline reference for scband-one-hot-encoder-31507880083794 (READ-ONLY COPY).

The authoritative reference and input builder live on the scoring server;
editing this copy changes nothing except your own understanding.
"""

import jax, jax.numpy as jnp
import numpy as np

VOCAB = 1000
BATCH = 1024
SEQ_LEN = 50


def setup_inputs(seed: int = 0) -> dict:
    key = jax.random.key(seed)
    k_idx, _ = jax.random.split(key)
    indices = jax.random.randint(k_idx, (BATCH, SEQ_LEN), 0, VOCAB, dtype=jnp.int32)
    # The torch OneHotEncoder builds np.eye(len(vocab)) and looks rows up per token.
    # Materialize the same identity 'embedding table'.
    table = jnp.eye(VOCAB, dtype=jnp.float32)
    return {"indices": indices, "table": table}


def reference(indices, table):
    # encode_batch: for each sentence (row of indices), gather the one-hot row
    # for every token -> [batch, seq_len, vocab]. This is exactly an embedding
    # lookup (gather) into the identity table.
    onehots = jnp.take(table, indices, axis=0)
    return onehots

if __name__ == "__main__":
    import jax
    _d = setup_inputs()
    print(jax.jit(kernel)(*tuple(_d.values())))

</pallas_src>

<mosaic_0001>
#map = affine_map<(d0, d1) -> (0, 0)>
#map1 = affine_map<(d0, d1) -> (0, 0, 0)>
module attributes {stable_mosaic.version = 14 : i64} {
  func.func @_onehot_sc(%arg0: i32, %arg1: i32, %arg2: memref<50x1024xi32, #tpu.memory_space<hbm>>, %arg3: memref<50x1000x1024xf32, #tpu.memory_space<hbm>>, %arg4: memref<50x128xi32, #tpu.memory_space<vmem>>, %arg5: memref<256x128xf32, #tpu.memory_space<vmem>>, %arg6: memref<256x128xf32, #tpu.memory_space<vmem>>, %arg7: memref<!tpu.dma_semaphore, #tpu.memory_space<semaphore_mem>>, %arg8: memref<!tpu.dma_semaphore, #tpu.memory_space<semaphore_mem>>) attributes {dimension_semantics = [#tpu.dimension_semantics<core_parallel>, #tpu.dimension_semantics<subcore_parallel>], iteration_bounds = array<i64: 2, 16>, scalar_prefetch = 0 : i64, scratch_operands = 5 : i64, tpu.core_type = #tpu.core_type<sc_vector_subcore>, window_params = [{transform_indices = #map}, {transform_indices = #map1}]} {
    %mul3A = arith.constant 2 : i32
    %mul3A_0 = arith.muli %arg1, %mul3A : i32
    %add3A = arith.addi %mul3A_0, %arg0 : i32
    %jit3A = arith.constant 8 : i32
    %eq3A = arith.constant 0 : i32
    %eq3A_1 = arith.cmpi eq, %jit3A, %eq3A : i32
    %jit3A_2 = arith.constant 1 : i32
    %select_n3A = arith.select %eq3A_1, %jit3A_2, %jit3A : i32
    %rem3A = arith.remsi %add3A, %select_n3A : i32
    %ne3A = arith.constant 0 : i32
    %ne3A_3 = arith.cmpi ne, %rem3A, %ne3A : i32
    %lt3A = arith.constant 0 : i32
    %lt3A_4 = arith.cmpi slt, %rem3A, %lt3A : i32
    %lt3A_5 = arith.constant 0 : i32
    %lt3A_6 = arith.cmpi slt, %select_n3A, %lt3A_5 : i32
    %ne3A_7 = arith.xori %lt3A_4, %lt3A_6 : i1
    %and3A = arith.andi %ne3A_7, %ne3A_3 : i1
    %add3A_8 = arith.addi %rem3A, %select_n3A : i32
    %select_n3A_9 = arith.select %and3A, %add3A_8, %rem3A : i32
    %jit3A_10 = arith.constant 8 : i32
    %div3A = arith.divsi %add3A, %jit3A_10 : i32
    %sign3A = arith.constant 0 : i32
    %sign3A_11 = arith.cmpi sgt, %add3A, %sign3A : i32
    %sign3A_12 = arith.extui %sign3A_11 : i1 to i32
    %sign3A_13 = arith.constant 0 : i32
    %sign3A_14 = arith.cmpi slt, %add3A, %sign3A_13 : i32
    %sign3A_15 = arith.extui %sign3A_14 : i1 to i32
    %sign3A_16 = arith.subi %sign3A_12, %sign3A_15 : i32
    %sign3A_17 = arith.constant 0 : i32
    %sign3A_18 = arith.cmpi sgt, %jit3A_10, %sign3A_17 : i32
    %sign3A_19 = arith.extui %sign3A_18 : i1 to i32
    %sign3A_20 = arith.constant 0 : i32
    %sign3A_21 = arith.cmpi slt, %jit3A_10, %sign3A_20 : i32
    %sign3A_22 = arith.extui %sign3A_21 : i1 to i32
    %sign3A_23 = arith.subi %sign3A_19, %sign3A_22 : i32
    %ne3A_24 = arith.cmpi ne, %sign3A_16, %sign3A_23 : i32
    %rem3A_25 = arith.remsi %add3A, %jit3A_10 : i32
    %ne3A_26 = arith.constant 0 : i32
    %ne3A_27 = arith.cmpi ne, %rem3A_25, %ne3A_26 : i32
    %and3A_28 = arith.andi %ne3A_24, %ne3A_27 : i1
    %sub3A = arith.constant 1 : i32
    %sub3A_29 = arith.subi %div3A, %sub3A : i32
    %select_n3A_30 = arith.select %and3A_28, %sub3A_29, %div3A : i32
    %mul3A_31 = arith.constant 248 : i32
    %mul3A_32 = arith.muli %select_n3A_30, %mul3A_31 : i32
    %mul3A_33 = arith.constant 128 : i32
    %mul3A_34 = arith.muli %select_n3A_9, %mul3A_33 : i32
    "tpu.region"() ({
      %run_scoped3A = tpu.sem_alloc : memref<!tpu.dma_semaphore, #tpu.memory_space<semaphore_mem>>
      %dma_start3A = arith.constant 0 : i32
      %dma_start3A_68 = tpu.memref_slice %arg2[%dma_start3A, %mul3A_34] : memref<50x1024xi32, #tpu.memory_space<hbm>> -> memref<50x128xi32, #tpu.memory_space<hbm>>
      %dma_start3A_69 = arith.constant 0 : i32
      %dma_start3A_70 = tpu.memref_slice %arg2[%dma_start3A_69, %mul3A_34] : memref<50x1024xi32, #tpu.memory_space<hbm>> -> memref<50x128xi32, #tpu.memory_space<hbm>>
      tpu.enqueue_dma source(%dma_start3A_70 : memref<50x128xi32, #tpu.memory_space<hbm>>) target(%arg4 : memref<50x128xi32, #tpu.memory_space<vmem>>) target_semaphore(%run_scoped3A : memref<!tpu.dma_semaphore, #tpu.memory_space<semaphore_mem>>)
      %dma_wait3A_71 = arith.constant 0 : i32
      %dma_wait3A_72 = tpu.memref_slice %arg2[%dma_wait3A_71, %mul3A_34] : memref<50x1024xi32, #tpu.memory_space<hbm>> -> memref<50x128xi32, #tpu.memory_space<hbm>>
      %dma_wait3A_73 = arith.constant 0 : i32
      %dma_wait3A_74 = tpu.memref_slice %arg2[%dma_wait3A_73, %mul3A_34] : memref<50x1024xi32, #tpu.memory_space<hbm>> -> memref<50x128xi32, #tpu.memory_space<hbm>>
      tpu.wait_dma2 semaphore(%run_scoped3A : memref<!tpu.dma_semaphore, #tpu.memory_space<semaphore_mem>>) src(%dma_wait3A_74 : memref<50x128xi32, #tpu.memory_space<hbm>>) dst(%arg4 : memref<50x128xi32, #tpu.memory_space<vmem>>)
      tpu.yield
    }) : () -> ()
    %iota3A = tpu.iota {dimensions = array<i32: 0>} : vector<16xi32>
    %broadcast_in_dim3A = arith.constant 1.000000e+00 : f32
    %broadcast_in_dim3A_35 = vector.broadcast %broadcast_in_dim3A : f32 to vector<16xf32>
    %broadcast_in_dim3A_36 = arith.constant 0.000000e+00 : f32
    %broadcast_in_dim3A_37 = vector.broadcast %broadcast_in_dim3A_36 : f32 to vector<16xf32>
    %scan3A = arith.constant 0 : i32
    %scan3A_38 = arith.constant 0 : i32
    %scan3A_39 = arith.constant 256 : i32
    %scan3A_40 = arith.addi %scan3A_38, %scan3A_39 : i32
    %scan3A_41 = arith.constant 1 : i32
    scf.for %scan3A_68 = %scan3A_38 to %scan3A_40 step %scan3A_41  : i32 {
      %swap3A = arith.index_cast %scan3A_68 : i32 to index
      %swap3A_69 = arith.constant 0 : index
      %swap3A_70 = tpu.vector_load %arg5[%swap3A, %swap3A_69] {strides = array<i32>} : memref<256x128xf32, #tpu.memory_space<vmem>>, vector<16xf32>,
      tpu.vector_store %arg5[%swap3A, %swap3A_69], %broadcast_in_dim3A_37 {strides = array<i32>} : memref<256x128xf32, #tpu.memory_space<vmem>>, vector<16xf32>,
      %swap3A_71 = arith.index_cast %scan3A_68 : i32 to index
      %swap3A_72 = arith.constant 16 : index
      %swap3A_73 = tpu.vector_load %arg5[%swap3A_71, %swap3A_72] {strides = array<i32>} : memref<256x128xf32, #tpu.memory_space<vmem>>, vector<16xf32>,
      tpu.vector_store %arg5[%swap3A_71, %swap3A_72], %broadcast_in_dim3A_37 {strides = array<i32>} : memref<256x128xf32, #tpu.memory_space<vmem>>, vector<16xf32>,
      %swap3A_74 = arith.index_cast %scan3A_68 : i32 to index
      %swap3A_75 = arith.constant 32 : index
      %swap3A_76 = tpu.vector_load %arg5[%swap3A_74, %swap3A_75] {strides = array<i32>} : memref<256x128xf32, #tpu.memory_space<vmem>>, vector<16xf32>,
      tpu.vector_store %arg5[%swap3A_74, %swap3A_75], %broadcast_in_dim3A_37 {strides = array<i32>} : memref<256x128xf32, #tpu.memory_space<vmem>>, vector<16xf32>,
      %swap3A_77 = arith.index_cast %scan3A_68 : i32 to index
      %swap3A_78 = arith.constant 48 : index
      %swap3A_79 = tpu.vector_load %arg5[%swap3A_77, %swap3A_78] {strides = array<i32>} : memref<256x128xf32, #tpu.memory_space<vmem>>, vector<16xf32>,
      tpu.vector_store %arg5[%swap3A_77, %swap3A_78], %broadcast_in_dim3A_37 {strides = array<i32>} : memref<256x128xf32, #tpu.memory_space<vmem>>, vector<16xf32>,
      %swap3A_80 = arith.index_cast %scan3A_68 : i32 to index
      %swap3A_81 = arith.constant 64 : index
      %swap3A_82 = tpu.vector_load %arg5[%swap3A_80, %swap3A_81] {strides = array<i32>} : memref<256x128xf32, #tpu.memory_space<vmem>>, vector<16xf32>,
      tpu.vector_store %arg5[%swap3A_80, %swap3A_81], %broadcast_in_dim3A_37 {strides = array<i32>} : memref<256x128xf32, #tpu.memory_space<vmem>>, vector<16xf32>,
      %swap3A_83 = arith.index_cast %scan3A_68 : i32 to index
      %swap3A_84 = arith.constant 80 : index
      %swap3A_85 = tpu.vector_load %arg5[%swap3A_83, %swap3A_84] {strides = array<i32>} : memref<256x128xf32, #tpu.memory_space<vmem>>, vector<16xf32>,
      tpu.vector_store %arg5[%swap3A_83, %swap3A_84], %broadcast_in_dim3A_37 {strides = array<i32>} : memref<256x128xf32, #tpu.memory_space<vmem>>, vector<16xf32>,
      %swap3A_86 = arith.index_cast %scan3A_68 : i32 to index
      %swap3A_87 = arith.constant 96 : index
      %swap3A_88 = tpu.vector_load %arg5[%swap3A_86, %swap3A_87] {strides = array<i32>} : memref<256x128xf32, #tpu.memory_space<vmem>>, vector<16xf32>,
      tpu.vector_store %arg5[%swap3A_86, %swap3A_87], %broadcast_in_dim3A_37 {strides = array<i32>} : memref<256x128xf32, #tpu.memory_space<vmem>>, vector<16xf32>,
      %swap3A_89 = arith.index_cast %scan3A_68 : i32 to index
      %swap3A_90 = arith.constant 112 : index
      %swap3A_91 = tpu.vector_load %arg5[%swap3A_89, %swap3A_90] {strides = array<i32>} : memref<256x128xf32, #tpu.memory_space<vmem>>, vector<16xf32>,
      tpu.vector_store %arg5[%swap3A_89, %swap3A_90], %broadcast_in_dim3A_37 {strides = array<i32>} : memref<256x128xf32, #tpu.memory_space<vmem>>, vector<16xf32>,
    }
    %scan3A_42 = arith.constant 256 : i32
    %scan3A_43 = arith.constant 0 : i32
    %scan3A_44 = arith.constant 0 : i32
    %scan3A_45 = arith.constant 256 : i32
    %scan3A_46 = arith.addi %scan3A_44, %scan3A_45 : i32
    %scan3A_47 = arith.constant 1 : i32
    scf.for %scan3A_68 = %scan3A_44 to %scan3A_46 step %scan3A_47  : i32 {
      %swap3A = arith.index_cast %scan3A_68 : i32 to index
      %swap3A_69 = arith.constant 0 : index
      %swap3A_70 = tpu.vector_load %arg6[%swap3A, %swap3A_69] {strides = array<i32>} : memref<256x128xf32, #tpu.memory_space<vmem>>, vector<16xf32>,
      tpu.vector_store %arg6[%swap3A, %swap3A_69], %broadcast_in_dim3A_37 {strides = array<i32>} : memref<256x128xf32, #tpu.memory_space<vmem>>, vector<16xf32>,
      %swap3A_71 = arith.index_cast %scan3A_68 : i32 to index
      %swap3A_72 = arith.constant 16 : index
      %swap3A_73 = tpu.vector_load %arg6[%swap3A_71, %swap3A_72] {strides = array<i32>} : memref<256x128xf32, #tpu.memory_space<vmem>>, vector<16xf32>,
      tpu.vector_store %arg6[%swap3A_71, %swap3A_72], %broadcast_in_dim3A_37 {strides = array<i32>} : memref<256x128xf32, #tpu.memory_space<vmem>>, vector<16xf32>,
      %swap3A_74 = arith.index_cast %scan3A_68 : i32 to index
      %swap3A_75 = arith.constant 32 : index
      %swap3A_76 = tpu.vector_load %arg6[%swap3A_74, %swap3A_75] {strides = array<i32>} : memref<256x128xf32, #tpu.memory_space<vmem>>, vector<16xf32>,
      tpu.vector_store %arg6[%swap3A_74, %swap3A_75], %broadcast_in_dim3A_37 {strides = array<i32>} : memref<256x128xf32, #tpu.memory_space<vmem>>, vector<16xf32>,
      %swap3A_77 = arith.index_cast %scan3A_68 : i32 to index
      %swap3A_78 = arith.constant 48 : index
      %swap3A_79 = tpu.vector_load %arg6[%swap3A_77, %swap3A_78] {strides = array<i32>} : memref<256x128xf32, #tpu.memory_space<vmem>>, vector<16xf32>,
      tpu.vector_store %arg6[%swap3A_77, %swap3A_78], %broadcast_in_dim3A_37 {strides = array<i32>} : memref<256x128xf32, #tpu.memory_space<vmem>>, vector<16xf32>,
      %swap3A_80 = arith.index_cast %scan3A_68 : i32 to index
      %swap3A_81 = arith.constant 64 : index
      %swap3A_82 = tpu.vector_load %arg6[%swap3A_80, %swap3A_81] {strides = array<i32>} : memref<256x128xf32, #tpu.memory_space<vmem>>, vector<16xf32>,
      tpu.vector_store %arg6[%swap3A_80, %swap3A_81], %broadcast_in_dim3A_37 {strides = array<i32>} : memref<256x128xf32, #tpu.memory_space<vmem>>, vector<16xf32>,
      %swap3A_83 = arith.index_cast %scan3A_68 : i32 to index
      %swap3A_84 = arith.constant 80 : index
      %swap3A_85 = tpu.vector_load %arg6[%swap3A_83, %swap3A_84] {strides = array<i32>} : memref<256x128xf32, #tpu.memory_space<vmem>>, vector<16xf32>,
      tpu.vector_store %arg6[%swap3A_83, %swap3A_84], %broadcast_in_dim3A_37 {strides = array<i32>} : memref<256x128xf32, #tpu.memory_space<vmem>>, vector<16xf32>,
      %swap3A_86 = arith.index_cast %scan3A_68 : i32 to index
      %swap3A_87 = arith.constant 96 : index
      %swap3A_88 = tpu.vector_load %arg6[%swap3A_86, %swap3A_87] {strides = array<i32>} : memref<256x128xf32, #tpu.memory_space<vmem>>, vector<16xf32>,
      tpu.vector_store %arg6[%swap3A_86, %swap3A_87], %broadcast_in_dim3A_37 {strides = array<i32>} : memref<256x128xf32, #tpu.memory_space<vmem>>, vector<16xf32>,
      %swap3A_89 = arith.index_cast %scan3A_68 : i32 to index
      %swap3A_90 = arith.constant 112 : index
      %swap3A_91 = tpu.vector_load %arg6[%swap3A_89, %swap3A_90] {strides = array<i32>} : memref<256x128xf32, #tpu.memory_space<vmem>>, vector<16xf32>,
      tpu.vector_store %arg6[%swap3A_89, %swap3A_90], %broadcast_in_dim3A_37 {strides = array<i32>} : memref<256x128xf32, #tpu.memory_space<vmem>>, vector<16xf32>,
    }
    %scan3A_48 = arith.constant 256 : i32
    %scan3A_49 = arith.constant 0 : i32
    %scan3A_50 = arith.constant 0 : i32
    %scan3A_51 = arith.constant 25 : i32
    %scan3A_52 = arith.addi %scan3A_50, %scan3A_51 : i32
    %scan3A_53 = arith.constant 1 : i32
    scf.for %scan3A_68 = %scan3A_50 to %scan3A_52 step %scan3A_53  : i32 {
      %mul3A_69 = arith.constant 2 : i32
      %mul3A_70 = arith.muli %scan3A_68, %mul3A_69 : i32
      %add3A_71 = arith.constant 0 : i32
      %add3A_72 = arith.addi %mul3A_70, %add3A_71 : i32
      %gt3A = arith.constant 0 : i32
      %gt3A_73 = arith.cmpi sgt, %scan3A_68, %gt3A : i32
      %convert_element_type3A = arith.extui %gt3A_73 : i1 to i32
      %cond3A = arith.constant 0 : i32
      %cond3A_74 = arith.cmpi ne, %convert_element_type3A, %cond3A : i32
      scf.if %cond3A_74 {
        %sub3A_333 = arith.constant 2 : i32
        %sub3A_334 = arith.subi %add3A_72, %sub3A_333 : i32
        %mul3A_335 = arith.constant 128 : i32
        %mul3A_336 = arith.muli %select_n3A_9, %mul3A_335 : i32
        %dma_wait3A_337 = tpu.memref_slice %arg3[%sub3A_334, %mul3A_32, %mul3A_336] : memref<50x1000x1024xf32, #tpu.memory_space<hbm>> -> memref<1x256x128xf32, #tpu.memory_space<hbm>>
        %dma_wait3A_338 = tpu.memref_squeeze %dma_wait3A_337 : memref<1x256x128xf32, #tpu.memory_space<hbm>> -> memref<256x128xf32, #tpu.memory_space<hbm>>
        %dma_wait3A_339 = tpu.memref_slice %arg3[%sub3A_334, %mul3A_32, %mul3A_336] : memref<50x1000x1024xf32, #tpu.memory_space<hbm>> -> memref<1x256x128xf32, #tpu.memory_space<hbm>>
        %dma_wait3A_340 = tpu.memref_squeeze %dma_wait3A_339 : memref<1x256x128xf32, #tpu.memory_space<hbm>> -> memref<256x128xf32, #tpu.memory_space<hbm>>
        tpu.wait_dma2 semaphore(%arg7 : memref<!tpu.dma_semaphore, #tpu.memory_space<semaphore_mem>>) src(%arg5 : memref<256x128xf32, #tpu.memory_space<vmem>>) dst(%dma_wait3A_340 : memref<256x128xf32, #tpu.memory_space<hbm>>)
        %sub3A_341 = arith.constant 2 : i32
        %sub3A_342 = arith.subi %add3A_72, %sub3A_341 : i32
        %add3A_343 = arith.constant 0 : i32
        %add3A_344 = vector.broadcast %add3A_343 : i32 to vector<16xi32>
        %add3A_345 = arith.addi %add3A_344, %iota3A : vector<16xi32>
        %get3A_346 = arith.index_cast %sub3A_342 : i32 to index
        %get3A_347 = arith.constant 0 : index
        %get3A_348 = tpu.vector_load %arg4[%get3A_346, %get3A_347] {strides = array<i32>} : memref<50x128xi32, #tpu.memory_space<vmem>>, vector<16xi32>,
        %sub3A_349 = vector.broadcast %mul3A_32 : i32 to vector<16xi32>
        %sub3A_350 = arith.subi %get3A_348, %sub3A_349 : vector<16xi32>
        %ge3A_351 = arith.constant 0 : i32
        %ge3A_352 = vector.broadcast %ge3A_351 : i32 to vector<16xi32>
        %ge3A_353 = arith.cmpi sge, %sub3A_350, %ge3A_352 : vector<16xi32>
        %lt3A_354 = arith.constant 256 : i32
        %lt3A_355 = vector.broadcast %lt3A_354 : i32 to vector<16xi32>
        %lt3A_356 = arith.cmpi slt, %sub3A_350, %lt3A_355 : vector<16xi32>
        %and3A_357 = arith.andi %ge3A_353, %lt3A_356 : vector<16xi1>
        tpu.vector_store_idx %arg5[%sub3A_350, %add3A_345], %broadcast_in_dim3A_37 masked %and3A_357 : memref<256x128xf32, #tpu.memory_space<vmem>>[vector<16xi32>, vector<16xi32>], vector<16xf32>, vector<16xi1>
        %add3A_358 = arith.constant 16 : i32
        %add3A_359 = vector.broadcast %add3A_358 : i32 to vector<16xi32>
        %add3A_360 = arith.addi %add3A_359, %iota3A : vector<16xi32>
        %get3A_361 = arith.index_cast %sub3A_342 : i32 to index
        %get3A_362 = arith.constant 16 : index
        %get3A_363 = tpu.vector_load %arg4[%get3A_361, %get3A_362] {strides = array<i32>} : memref<50x128xi32, #tpu.memory_space<vmem>>, vector<16xi32>,
        %sub3A_364 = vector.broadcast %mul3A_32 : i32 to vector<16xi32>
        %sub3A_365 = arith.subi %get3A_363, %sub3A_364 : vector<16xi32>
        %ge3A_366 = arith.constant 0 : i32
        %ge3A_367 = vector.broadcast %ge3A_366 : i32 to vector<16xi32>
        %ge3A_368 = arith.cmpi sge, %sub3A_365, %ge3A_367 : vector<16xi32>
        %lt3A_369 = arith.constant 256 : i32
        %lt3A_370 = vector.broadcast %lt3A_369 : i32 to vector<16xi32>
        %lt3A_371 = arith.cmpi slt, %sub3A_365, %lt3A_370 : vector<16xi32>
        %and3A_372 = arith.andi %ge3A_368, %lt3A_371 : vector<16xi1>
        tpu.vector_store_idx %arg5[%sub3A_365, %add3A_360], %broadcast_in_dim3A_37 masked %and3A_372 : memref<256x128xf32, #tpu.memory_space<vmem>>[vector<16xi32>, vector<16xi32>], vector<16xf32>, vector<16xi1>
        %add3A_373 = arith.constant 32 : i32
        %add3A_374 = vector.broadcast %add3A_373 : i32 to vector<16xi32>
        %add3A_375 = arith.addi %add3A_374, %iota3A : vector<16xi32>
        %get3A_376 = arith.index_cast %sub3A_342 : i32 to index
        %get3A_377 = arith.constant 32 : index
        %get3A_378 = tpu.vector_load %arg4[%get3A_376, %get3A_377] {strides = array<i32>} : memref<50x128xi32, #tpu.memory_space<vmem>>, vector<16xi32>,
        %sub3A_379 = vector.broadcast %mul3A_32 : i32 to vector<16xi32>
        %sub3A_380 = arith.subi %get3A_378, %sub3A_379 : vector<16xi32>
        %ge3A_381 = arith.constant 0 : i32
        %ge3A_382 = vector.broadcast %ge3A_381 : i32 to vector<16xi32>
        %ge3A_383 = arith.cmpi sge, %sub3A_380, %ge3A_382 : vector<16xi32>
        %lt3A_384 = arith.constant 256 : i32
        %lt3A_385 = vector.broadcast %lt3A_384 : i32 to vector<16xi32>
        %lt3A_386 = arith.cmpi slt, %sub3A_380, %lt3A_385 : vector<16xi32>
        %and3A_387 = arith.andi %ge3A_383, %lt3A_386 : vector<16xi1>
        tpu.vector_store_idx %arg5[%sub3A_380, %add3A_375], %broadcast_in_dim3A_37 masked %and3A_387 : memref<256x128xf32, #tpu.memory_space<vmem>>[vector<16xi32>, vector<16xi32>], vector<16xf32>, vector<16xi1>
        %add3A_388 = arith.constant 48 : i32
        %add3A_389 = vector.broadcast %add3A_388 : i32 to vector<16xi32>
        %add3A_390 = arith.addi %add3A_389, %iota3A : vector<16xi32>
        %get3A_391 = arith.index_cast %sub3A_342 : i32 to index
        %get3A_392 = arith.constant 48 : index
        %get3A_393 = tpu.vector_load %arg4[%get3A_391, %get3A_392] {strides = array<i32>} : memref<50x128xi32, #tpu.memory_space<vmem>>, vector<16xi32>,
        %sub3A_394 = vector.broadcast %mul3A_32 : i32 to vector<16xi32>
        %sub3A_395 = arith.subi %get3A_393, %sub3A_394 : vector<16xi32>
        %ge3A_396 = arith.constant 0 : i32
        %ge3A_397 = vector.broadcast %ge3A_396 : i32 to vector<16xi32>
        %ge3A_398 = arith.cmpi sge, %sub3A_395, %ge3A_397 : vector<16xi32>
        %lt3A_399 = arith.constant 256 : i32
        %lt3A_400 = vector.broadcast %lt3A_399 : i32 to vector<16xi32>
        %lt3A_401 = arith.cmpi slt, %sub3A_395, %lt3A_400 : vector<16xi32>
        %and3A_402 = arith.andi %ge3A_398, %lt3A_401 : vector<16xi1>
        tpu.vector_store_idx %arg5[%sub3A_395, %add3A_390], %broadcast_in_dim3A_37 masked %and3A_402 : memref<256x128xf32, #tpu.memory_space<vmem>>[vector<16xi32>, vector<16xi32>], vector<16xf32>, vector<16xi1>
        %add3A_403 = arith.constant 64 : i32
        %add3A_404 = vector.broadcast %add3A_403 : i32 to vector<16xi32>
        %add3A_405 = arith.addi %add3A_404, %iota3A : vector<16xi32>
        %get3A_406 = arith.index_cast %sub3A_342 : i32 to index
        %get3A_407 = arith.constant 64 : index
        %get3A_408 = tpu.vector_load %arg4[%get3A_406, %get3A_407] {strides = array<i32>} : memref<50x128xi32, #tpu.memory_space<vmem>>, vector<16xi32>,
        %sub3A_409 = vector.broadcast %mul3A_32 : i32 to vector<16xi32>
        %sub3A_410 = arith.subi %get3A_408, %sub3A_409 : vector<16xi32>
        %ge3A_411 = arith.constant 0 : i32
        %ge3A_412 = vector.broadcast %ge3A_411 : i32 to vector<16xi32>
        %ge3A_413 = arith.cmpi sge, %sub3A_410, %ge3A_412 : vector<16xi32>
        %lt3A_414 = arith.constant 256 : i32
        %lt3A_415 = vector.broadcast %lt3A_414 : i32 to vector<16xi32>
        %lt3A_416 = arith.cmpi slt, %sub3A_410, %lt3A_415 : vector<16xi32>
        %and3A_417 = arith.andi %ge3A_413, %lt3A_416 : vector<16xi1>
        tpu.vector_store_idx %arg5[%sub3A_410, %add3A_405], %broadcast_in_dim3A_37 masked %and3A_417 : memref<256x128xf32, #tpu.memory_space<vmem>>[vector<16xi32>, vector<16xi32>], vector<16xf32>, vector<16xi1>
        %add3A_418 = arith.constant 80 : i32
        %add3A_419 = vector.broadcast %add3A_418 : i32 to vector<16xi32>
        %add3A_420 = arith.addi %add3A_419, %iota3A : vector<16xi32>
        %get3A_421 = arith.index_cast %sub3A_342 : i32 to index
        %get3A_422 = arith.constant 80 : index
        %get3A_423 = tpu.vector_load %arg4[%get3A_421, %get3A_422] {strides = array<i32>} : memref<50x128xi32, #tpu.memory_space<vmem>>, vector<16xi32>,
        %sub3A_424 = vector.broadcast %mul3A_32 : i32 to vector<16xi32>
        %sub3A_425 = arith.subi %get3A_423, %sub3A_424 : vector<16xi32>
        %ge3A_426 = arith.constant 0 : i32
        %ge3A_427 = vector.broadcast %ge3A_426 : i32 to vector<16xi32>
        %ge3A_428 = arith.cmpi sge, %sub3A_425, %ge3A_427 : vector<16xi32>
        %lt3A_429 = arith.constant 256 : i32
        %lt3A_430 = vector.broadcast %lt3A_429 : i32 to vector<16xi32>
        %lt3A_431 = arith.cmpi slt, %sub3A_425, %lt3A_430 : vector<16xi32>
        %and3A_432 = arith.andi %ge3A_428, %lt3A_431 : vector<16xi1>
        tpu.vector_store_idx %arg5[%sub3A_425, %add3A_420], %broadcast_in_dim3A_37 masked %and3A_432 : memref<256x128xf32, #tpu.memory_space<vmem>>[vector<16xi32>, vector<16xi32>], vector<16xf32>, vector<16xi1>
        %add3A_433 = arith.constant 96 : i32
        %add3A_434 = vector.broadcast %add3A_433 : i32 to vector<16xi32>
        %add3A_435 = arith.addi %add3A_434, %iota3A : vector<16xi32>
        %get3A_436 = arith.index_cast %sub3A_342 : i32 to index
        %get3A_437 = arith.constant 96 : index
        %get3A_438 = tpu.vector_load %arg4[%get3A_436, %get3A_437] {strides = array<i32>} : memref<50x128xi32, #tpu.memory_space<vmem>>, vector<16xi32>,
        %sub3A_439 = vector.broadcast %mul3A_32 : i32 to vector<16xi32>
        %sub3A_440 = arith.subi %get3A_438, %sub3A_439 : vector<16xi32>
        %ge3A_441 = arith.constant 0 : i32
        %ge3A_442 = vector.broadcast %ge3A_441 : i32 to vector<16xi32>
        %ge3A_443 = arith.cmpi sge, %sub3A_440, %ge3A_442 : vector<16xi32>
        %lt3A_444 = arith.constant 256 : i32
        %lt3A_445 = vector.broadcast %lt3A_444 : i32 to vector<16xi32>
        %lt3A_446 = arith.cmpi slt, %sub3A_440, %lt3A_445 : vector<16xi32>
        %and3A_447 = arith.andi %ge3A_443, %lt3A_446 : vector<16xi1>
        tpu.vector_store_idx %arg5[%sub3A_440, %add3A_435], %broadcast_in_dim3A_37 masked %and3A_447 : memref<256x128xf32, #tpu.memory_space<vmem>>[vector<16xi32>, vector<16xi32>], vector<16xf32>, vector<16xi1>
        %add3A_448 = arith.constant 112 : i32
        %add3A_449 = vector.broadcast %add3A_448 : i32 to vector<16xi32>
        %add3A_450 = arith.addi %add3A_449, %iota3A : vector<16xi32>
        %get3A_451 = arith.index_cast %sub3A_342 : i32 to index
        %get3A_452 = arith.constant 112 : index
        %get3A_453 = tpu.vector_load %arg4[%get3A_451, %get3A_452] {strides = array<i32>} : memref<50x128xi32, #tpu.memory_space<vmem>>, vector<16xi32>,
        %sub3A_454 = vector.broadcast %mul3A_32 : i32 to vector<16xi32>
        %sub3A_455 = arith.subi %get3A_453, %sub3A_454 : vector<16xi32>
        %ge3A_456 = arith.constant 0 : i32
        %ge3A_457 = vector.broadcast %ge3A_456 : i32 to vector<16xi32>
        %ge3A_458 = arith.cmpi sge, %sub3A_455, %ge3A_457 : vector<16xi32>
        %lt3A_459 = arith.constant 256 : i32
        %lt3A_460 = vector.broadcast %lt3A_459 : i32 to vector<16xi32>
        %lt3A_461 = arith.cmpi slt, %sub3A_455, %lt3A_460 : vector<16xi32>
        %and3A_462 = arith.andi %ge3A_458, %lt3A_461 : vector<16xi1>
        tpu.vector_store_idx %arg5[%sub3A_455, %add3A_450], %broadcast_in_dim3A_37 masked %and3A_462 : memref<256x128xf32, #tpu.memory_space<vmem>>[vector<16xi32>, vector<16xi32>], vector<16xf32>, vector<16xi1>
      } else {
      }
      %add3A_75 = arith.constant 0 : i32
      %add3A_76 = vector.broadcast %add3A_75 : i32 to vector<16xi32>
      %add3A_77 = arith.addi %add3A_76, %iota3A : vector<16xi32>
      %get3A = arith.index_cast %add3A_72 : i32 to index
      %get3A_78 = arith.constant 0 : index
      %get3A_79 = tpu.vector_load %arg4[%get3A, %get3A_78] {strides = array<i32>} : memref<50x128xi32, #tpu.memory_space<vmem>>, vector<16xi32>,
      %sub3A_80 = vector.broadcast %mul3A_32 : i32 to vector<16xi32>
      %sub3A_81 = arith.subi %get3A_79, %sub3A_80 : vector<16xi32>
      %ge3A = arith.constant 0 : i32
      %ge3A_82 = vector.broadcast %ge3A : i32 to vector<16xi32>
      %ge3A_83 = arith.cmpi sge, %sub3A_81, %ge3A_82 : vector<16xi32>
      %lt3A_84 = arith.constant 256 : i32
      %lt3A_85 = vector.broadcast %lt3A_84 : i32 to vector<16xi32>
      %lt3A_86 = arith.cmpi slt, %sub3A_81, %lt3A_85 : vector<16xi32>
      %and3A_87 = arith.andi %ge3A_83, %lt3A_86 : vector<16xi1>
      tpu.vector_store_idx %arg5[%sub3A_81, %add3A_77], %broadcast_in_dim3A_35 masked %and3A_87 : memref<256x128xf32, #tpu.memory_space<vmem>>[vector<16xi32>, vector<16xi32>], vector<16xf32>, vector<16xi1>
      %add3A_88 = arith.constant 16 : i32
      %add3A_89 = vector.broadcast %add3A_88 : i32 to vector<16xi32>
      %add3A_90 = arith.addi %add3A_89, %iota3A : vector<16xi32>
      %get3A_91 = arith.index_cast %add3A_72 : i32 to index
      %get3A_92 = arith.constant 16 : index
      %get3A_93 = tpu.vector_load %arg4[%get3A_91, %get3A_92] {strides = array<i32>} : memref<50x128xi32, #tpu.memory_space<vmem>>, vector<16xi32>,
      %sub3A_94 = vector.broadcast %mul3A_32 : i32 to vector<16xi32>
      %sub3A_95 = arith.subi %get3A_93, %sub3A_94 : vector<16xi32>
      %ge3A_96 = arith.constant 0 : i32
      %ge3A_97 = vector.broadcast %ge3A_96 : i32 to vector<16xi32>
      %ge3A_98 = arith.cmpi sge, %sub3A_95, %ge3A_97 : vector<16xi32>
      %lt3A_99 = arith.constant 256 : i32
      %lt3A_100 = vector.broadcast %lt3A_99 : i32 to vector<16xi32>
      %lt3A_101 = arith.cmpi slt, %sub3A_95, %lt3A_100 : vector<16xi32>
      %and3A_102 = arith.andi %ge3A_98, %lt3A_101 : vector<16xi1>
      tpu.vector_store_idx %arg5[%sub3A_95, %add3A_90], %broadcast_in_dim3A_35 masked %and3A_102 : memref<256x128xf32, #tpu.memory_space<vmem>>[vector<16xi32>, vector<16xi32>], vector<16xf32>, vector<16xi1>
      %add3A_103 = arith.constant 32 : i32
      %add3A_104 = vector.broadcast %add3A_103 : i32 to vector<16xi32>
      %add3A_105 = arith.addi %add3A_104, %iota3A : vector<16xi32>
      %get3A_106 = arith.index_cast %add3A_72 : i32 to index
      %get3A_107 = arith.constant 32 : index
      %get3A_108 = tpu.vector_load %arg4[%get3A_106, %get3A_107] {strides = array<i32>} : memref<50x128xi32, #tpu.memory_space<vmem>>, vector<16xi32>,
      %sub3A_109 = vector.broadcast %mul3A_32 : i32 to vector<16xi32>
      %sub3A_110 = arith.subi %get3A_108, %sub3A_109 : vector<16xi32>
      %ge3A_111 = arith.constant 0 : i32
      %ge3A_112 = vector.broadcast %ge3A_111 : i32 to vector<16xi32>
      %ge3A_113 = arith.cmpi sge, %sub3A_110, %ge3A_112 : vector<16xi32>
      %lt3A_114 = arith.constant 256 : i32
      %lt3A_115 = vector.broadcast %lt3A_114 : i32 to vector<16xi32>
      %lt3A_116 = arith.cmpi slt, %sub3A_110, %lt3A_115 : vector<16xi32>
      %and3A_117 = arith.andi %ge3A_113, %lt3A_116 : vector<16xi1>
      tpu.vector_store_idx %arg5[%sub3A_110, %add3A_105], %broadcast_in_dim3A_35 masked %and3A_117 : memref<256x128xf32, #tpu.memory_space<vmem>>[vector<16xi32>, vector<16xi32>], vector<16xf32>, vector<16xi1>
      %add3A_118 = arith.constant 48 : i32
      %add3A_119 = vector.broadcast %add3A_118 : i32 to vector<16xi32>
      %add3A_120 = arith.addi %add3A_119, %iota3A : vector<16xi32>
      %get3A_121 = arith.index_cast %add3A_72 : i32 to index
      %get3A_122 = arith.constant 48 : index
      %get3A_123 = tpu.vector_load %arg4[%get3A_121, %get3A_122] {strides = array<i32>} : memref<50x128xi32, #tpu.memory_space<vmem>>, vector<16xi32>,
      %sub3A_124 = vector.broadcast %mul3A_32 : i32 to vector<16xi32>
      %sub3A_125 = arith.subi %get3A_123, %sub3A_124 : vector<16xi32>
      %ge3A_126 = arith.constant 0 : i32
      %ge3A_127 = vector.broadcast %ge3A_126 : i32 to vector<16xi32>
      %ge3A_128 = arith.cmpi sge, %sub3A_125, %ge3A_127 : vector<16xi32>
      %lt3A_129 = arith.constant 256 : i32
      %lt3A_130 = vector.broadcast %lt3A_129 : i32 to vector<16xi32>
      %lt3A_131 = arith.cmpi slt, %sub3A_125, %lt3A_130 : vector<16xi32>
      %and3A_132 = arith.andi %ge3A_128, %lt3A_131 : vector<16xi1>
      tpu.vector_store_idx %arg5[%sub3A_125, %add3A_120], %broadcast_in_dim3A_35 masked %and3A_132 : memref<256x128xf32, #tpu.memory_space<vmem>>[vector<16xi32>, vector<16xi32>], vector<16xf32>, vector<16xi1>
      %add3A_133 = arith.constant 64 : i32
      %add3A_134 = vector.broadcast %add3A_133 : i32 to vector<16xi32>
      %add3A_135 = arith.addi %add3A_134, %iota3A : vector<16xi32>
      %get3A_136 = arith.index_cast %add3A_72 : i32 to index
      %get3A_137 = arith.constant 64 : index
      %get3A_138 = tpu.vector_load %arg4[%get3A_136, %get3A_137] {strides = array<i32>} : memref<50x128xi32, #tpu.memory_space<vmem>>, vector<16xi32>,
      %sub3A_139 = vector.broadcast %mul3A_32 : i32 to vector<16xi32>
      %sub3A_140 = arith.subi %get3A_138, %sub3A_139 : vector<16xi32>
      %ge3A_141 = arith.constant 0 : i32
      %ge3A_142 = vector.broadcast %ge3A_141 : i32 to vector<16xi32>
      %ge3A_143 = arith.cmpi sge, %sub3A_140, %ge3A_142 : vector<16xi32>
      %lt3A_144 = arith.constant 256 : i32
      %lt3A_145 = vector.broadcast %lt3A_144 : i32 to vector<16xi32>
      %lt3A_146 = arith.cmpi slt, %sub3A_140, %lt3A_145 : vector<16xi32>
      %and3A_147 = arith.andi %ge3A_143, %lt3A_146 : vector<16xi1>
      tpu.vector_store_idx %arg5[%sub3A_140, %add3A_135], %broadcast_in_dim3A_35 masked %and3A_147 : memref<256x128xf32, #tpu.memory_space<vmem>>[vector<16xi32>, vector<16xi32>], vector<16xf32>, vector<16xi1>
      %add3A_148 = arith.constant 80 : i32
      %add3A_149 = vector.broadcast %add3A_148 : i32 to vector<16xi32>
      %add3A_150 = arith.addi %add3A_149, %iota3A : vector<16xi32>
      %get3A_151 = arith.index_cast %add3A_72 : i32 to index
      %get3A_152 = arith.constant 80 : index
      %get3A_153 = tpu.vector_load %arg4[%get3A_151, %get3A_152] {strides = array<i32>} : memref<50x128xi32, #tpu.memory_space<vmem>>, vector<16xi32>,
      %sub3A_154 = vector.broadcast %mul3A_32 : i32 to vector<16xi32>
      %sub3A_155 = arith.subi %get3A_153, %sub3A_154 : vector<16xi32>
      %ge3A_156 = arith.constant 0 : i32
      %ge3A_157 = vector.broadcast %ge3A_156 : i32 to vector<16xi32>
      %ge3A_158 = arith.cmpi sge, %sub3A_155, %ge3A_157 : vector<16xi32>
      %lt3A_159 = arith.constant 256 : i32
      %lt3A_160 = vector.broadcast %lt3A_159 : i32 to vector<16xi32>
      %lt3A_161 = arith.cmpi slt, %sub3A_155, %lt3A_160 : vector<16xi32>
      %and3A_162 = arith.andi %ge3A_158, %lt3A_161 : vector<16xi1>
      tpu.vector_store_idx %arg5[%sub3A_155, %add3A_150], %broadcast_in_dim3A_35 masked %and3A_162 : memref<256x128xf32, #tpu.memory_space<vmem>>[vector<16xi32>, vector<16xi32>], vector<16xf32>, vector<16xi1>
      %add3A_163 = arith.constant 96 : i32
      %add3A_164 = vector.broadcast %add3A_163 : i32 to vector<16xi32>
      %add3A_165 = arith.addi %add3A_164, %iota3A : vector<16xi32>
      %get3A_166 = arith.index_cast %add3A_72 : i32 to index
      %get3A_167 = arith.constant 96 : index
      %get3A_168 = tpu.vector_load %arg4[%get3A_166, %get3A_167] {strides = array<i32>} : memref<50x128xi32, #tpu.memory_space<vmem>>, vector<16xi32>,
      %sub3A_169 = vector.broadcast %mul3A_32 : i32 to vector<16xi32>
      %sub3A_170 = arith.subi %get3A_168, %sub3A_169 : vector<16xi32>
      %ge3A_171 = arith.constant 0 : i32
      %ge3A_172 = vector.broadcast %ge3A_171 : i32 to vector<16xi32>
      %ge3A_173 = arith.cmpi sge, %sub3A_170, %ge3A_172 : vector<16xi32>
      %lt3A_174 = arith.constant 256 : i32
      %lt3A_175 = vector.broadcast %lt3A_174 : i32 to vector<16xi32>
      %lt3A_176 = arith.cmpi slt, %sub3A_170, %lt3A_175 : vector<16xi32>
      %and3A_177 = arith.andi %ge3A_173, %lt3A_176 : vector<16xi1>
      tpu.vector_store_idx %arg5[%sub3A_170, %add3A_165], %broadcast_in_dim3A_35 masked %and3A_177 : memref<256x128xf32, #tpu.memory_space<vmem>>[vector<16xi32>, vector<16xi32>], vector<16xf32>, vector<16xi1>
      %add3A_178 = arith.constant 112 : i32
      %add3A_179 = vector.broadcast %add3A_178 : i32 to vector<16xi32>
      %add3A_180 = arith.addi %add3A_179, %iota3A : vector<16xi32>
      %get3A_181 = arith.index_cast %add3A_72 : i32 to index
      %get3A_182 = arith.constant 112 : index
      %get3A_183 = tpu.vector_load %arg4[%get3A_181, %get3A_182] {strides = array<i32>} : memref<50x128xi32, #tpu.memory_space<vmem>>, vector<16xi32>,
      %sub3A_184 = vector.broadcast %mul3A_32 : i32 to vector<16xi32>
      %sub3A_185 = arith.subi %get3A_183, %sub3A_184 : vector<16xi32>
      %ge3A_186 = arith.constant 0 : i32
      %ge3A_187 = vector.broadcast %ge3A_186 : i32 to vector<16xi32>
      %ge3A_188 = arith.cmpi sge, %sub3A_185, %ge3A_187 : vector<16xi32>
      %lt3A_189 = arith.constant 256 : i32
      %lt3A_190 = vector.broadcast %lt3A_189 : i32 to vector<16xi32>
      %lt3A_191 = arith.cmpi slt, %sub3A_185, %lt3A_190 : vector<16xi32>
      %and3A_192 = arith.andi %ge3A_188, %lt3A_191 : vector<16xi1>
      tpu.vector_store_idx %arg5[%sub3A_185, %add3A_180], %broadcast_in_dim3A_35 masked %and3A_192 : memref<256x128xf32, #tpu.memory_space<vmem>>[vector<16xi32>, vector<16xi32>], vector<16xf32>, vector<16xi1>
      %mul3A_193 = arith.constant 128 : i32
      %mul3A_194 = arith.muli %select_n3A_9, %mul3A_193 : i32
      %dma_start3A = tpu.memref_slice %arg3[%add3A_72, %mul3A_32, %mul3A_194] : memref<50x1000x1024xf32, #tpu.memory_space<hbm>> -> memref<1x256x128xf32, #tpu.memory_space<hbm>>
      %dma_start3A_195 = tpu.memref_squeeze %dma_start3A : memref<1x256x128xf32, #tpu.memory_space<hbm>> -> memref<256x128xf32, #tpu.memory_space<hbm>>
      %dma_start3A_196 = tpu.memref_slice %arg3[%add3A_72, %mul3A_32, %mul3A_194] : memref<50x1000x1024xf32, #tpu.memory_space<hbm>> -> memref<1x256x128xf32, #tpu.memory_space<hbm>>
      %dma_start3A_197 = tpu.memref_squeeze %dma_start3A_196 : memref<1x256x128xf32, #tpu.memory_space<hbm>> -> memref<256x128xf32, #tpu.memory_space<hbm>>
      tpu.enqueue_dma source(%arg5 : memref<256x128xf32, #tpu.memory_space<vmem>>) target(%dma_start3A_197 : memref<256x128xf32, #tpu.memory_space<hbm>>) target_semaphore(%arg7 : memref<!tpu.dma_semaphore, #tpu.memory_space<semaphore_mem>>)
      %mul3A_198 = arith.constant 2 : i32
      %mul3A_199 = arith.muli %scan3A_68, %mul3A_198 : i32
      %add3A_200 = arith.constant 1 : i32
      %add3A_201 = arith.addi %mul3A_199, %add3A_200 : i32
      %gt3A_202 = arith.constant 0 : i32
      %gt3A_203 = arith.cmpi sgt, %scan3A_68, %gt3A_202 : i32
      %convert_element_type3A_204 = arith.extui %gt3A_203 : i1 to i32
      %cond3A_205 = arith.constant 0 : i32
      %cond3A_206 = arith.cmpi ne, %convert_element_type3A_204, %cond3A_205 : i32
      scf.if %cond3A_206 {
        %sub3A_333 = arith.constant 2 : i32
        %sub3A_334 = arith.subi %add3A_201, %sub3A_333 : i32
        %mul3A_335 = arith.constant 128 : i32
        %mul3A_336 = arith.muli %select_n3A_9, %mul3A_335 : i32
        %dma_wait3A_337 = tpu.memref_slice %arg3[%sub3A_334, %mul3A_32, %mul3A_336] : memref<50x1000x1024xf32, #tpu.memory_space<hbm>> -> memref<1x256x128xf32, #tpu.memory_space<hbm>>
        %dma_wait3A_338 = tpu.memref_squeeze %dma_wait3A_337 : memref<1x256x128xf32, #tpu.memory_space<hbm>> -> memref<256x128xf32, #tpu.memory_space<hbm>>
        %dma_wait3A_339 = tpu.memref_slice %arg3[%sub3A_334, %mul3A_32, %mul3A_336] : memref<50x1000x1024xf32, #tpu.memory_space<hbm>> -> memref<1x256x128xf32, #tpu.memory_space<hbm>>
        %dma_wait3A_340 = tpu.memref_squeeze %dma_wait3A_339 : memref<1x256x128xf32, #tpu.memory_space<hbm>> -> memref<256x128xf32, #tpu.memory_space<hbm>>
        tpu.wait_dma2 semaphore(%arg8 : memref<!tpu.dma_semaphore, #tpu.memory_space<semaphore_mem>>) src(%arg6 : memref<256x128xf32, #tpu.memory_space<vmem>>) dst(%dma_wait3A_340 : memref<256x128xf32, #tpu.memory_space<hbm>>)
        %sub3A_341 = arith.constant 2 : i32
        %sub3A_342 = arith.subi %add3A_201, %sub3A_341 : i32
        %add3A_343 = arith.constant 0 : i32
        %add3A_344 = vector.broadcast %add3A_343 : i32 to vector<16xi32>
        %add3A_345 = arith.addi %add3A_344, %iota3A : vector<16xi32>
        %get3A_346 = arith.index_cast %sub3A_342 : i32 to index
        %get3A_347 = arith.constant 0 : index
        %get3A_348 = tpu.vector_load %arg4[%get3A_346, %get3A_347] {strides = array<i32>} : memref<50x128xi32, #tpu.memory_space<vmem>>, vector<16xi32>,
        %sub3A_349 = vector.broadcast %mul3A_32 : i32 to vector<16xi32>
        %sub3A_350 = arith.subi %get3A_348, %sub3A_349 : vector<16xi32>
        %ge3A_351 = arith.constant 0 : i32
        %ge3A_352 = vector.broadcast %ge3A_351 : i32 to vector<16xi32>
        %ge3A_353 = arith.cmpi sge, %sub3A_350, %ge3A_352 : vector<16xi32>
        %lt3A_354 = arith.constant 256 : i32
        %lt3A_355 = vector.broadcast %lt3A_354 : i32 to vector<16xi32>
        %lt3A_356 = arith.cmpi slt, %sub3A_350, %lt3A_355 : vector<16xi32>
        %and3A_357 = arith.andi %ge3A_353, %lt3A_356 : vector<16xi1>
        tpu.vector_store_idx %arg6[%sub3A_350, %add3A_345], %broadcast_in_dim3A_37 masked %and3A_357 : memref<256x128xf32, #tpu.memory_space<vmem>>[vector<16xi32>, vector<16xi32>], vector<16xf32>, vector<16xi1>
        %add3A_358 = arith.constant 16 : i32
        %add3A_359 = vector.broadcast %add3A_358 : i32 to vector<16xi32>
        %add3A_360 = arith.addi %add3A_359, %iota3A : vector<16xi32>
        %get3A_361 = arith.index_cast %sub3A_342 : i32 to index
        %get3A_362 = arith.constant 16 : index
        %get3A_363 = tpu.vector_load %arg4[%get3A_361, %get3A_362] {strides = array<i32>} : memref<50x128xi32, #tpu.memory_space<vmem>>, vector<16xi32>,
        %sub3A_364 = vector.broadcast %mul3A_32 : i32 to vector<16xi32>
        %sub3A_365 = arith.subi %get3A_363, %sub3A_364 : vector<16xi32>
        %ge3A_366 = arith.constant 0 : i32
        %ge3A_367 = vector.broadcast %ge3A_366 : i32 to vector<16xi32>
        %ge3A_368 = arith.cmpi sge, %sub3A_365, %ge3A_367 : vector<16xi32>
        %lt3A_369 = arith.constant 256 : i32
        %lt3A_370 = vector.broadcast %lt3A_369 : i32 to vector<16xi32>
        %lt3A_371 = arith.cmpi slt, %sub3A_365, %lt3A_370 : vector<16xi32>
        %and3A_372 = arith.andi %ge3A_368, %lt3A_371 : vector<16xi1>
        tpu.vector_store_idx %arg6[%sub3A_365, %add3A_360], %broadcast_in_dim3A_37 masked %and3A_372 : memref<256x128xf32, #tpu.memory_space<vmem>>[vector<16xi32>, vector<16xi32>], vector<16xf32>, vector<16xi1>
        %add3A_373 = arith.constant 32 : i32
        %add3A_374 = vector.broadcast %add3A_373 : i32 to vector<16xi32>
        %add3A_375 = arith.addi %add3A_374, %iota3A : vector<16xi32>
        %get3A_376 = arith.index_cast %sub3A_342 : i32 to index
        %get3A_377 = arith.constant 32 : index
        %get3A_378 = tpu.vector_load %arg4[%get3A_376, %get3A_377] {strides = array<i32>} : memref<50x128xi32, #tpu.memory_space<vmem>>, vector<16xi32>,
        %sub3A_379 = vector.broadcast %mul3A_32 : i32 to vector<16xi32>
        %sub3A_380 = arith.subi %get3A_378, %sub3A_379 : vector<16xi32>
        %ge3A_381 = arith.constant 0 : i32
        %ge3A_382 = vector.broadcast %ge3A_381 : i32 to vector<16xi32>
        %ge3A_383 = arith.cmpi sge, %sub3A_380, %ge3A_382 : vector<16xi32>
        %lt3A_384 = arith.constant 256 : i32
        %lt3A_385 = vector.broadcast %lt3A_384 : i32 to vector<16xi32>
        %lt3A_386 = arith.cmpi slt, %sub3A_380, %lt3A_385 : vector<16xi32>
        %and3A_387 = arith.andi %ge3A_383, %lt3A_386 : vector<16xi1>
        tpu.vector_store_idx %arg6[%sub3A_380, %add3A_375], %broadcast_in_dim3A_37 masked %and3A_387 : memref<256x128xf32, #tpu.memory_space<vmem>>[vector<16xi32>, vector<16xi32>], vector<16xf32>, vector<16xi1>
        %add3A_388 = arith.constant 48 : i32
        %add3A_389 = vector.broadcast %add3A_388 : i32 to vector<16xi32>
        %add3A_390 = arith.addi %add3A_389, %iota3A : vector<16xi32>
        %get3A_391 = arith.index_cast %sub3A_342 : i32 to index
        %get3A_392 = arith.constant 48 : index
        %get3A_393 = tpu.vector_load %arg4[%get3A_391, %get3A_392] {strides = array<i32>} : memref<50x128xi32, #tpu.memory_space<vmem>>, vector<16xi32>,
        %sub3A_394 = vector.broadcast %mul3A_32 : i32 to vector<16xi32>
        %sub3A_395 = arith.subi %get3A_393, %sub3A_394 : vector<16xi32>
        %ge3A_396 = arith.constant 0 : i32
        %ge3A_397 = vector.broadcast %ge3A_396 : i32 to vector<16xi32>
        %ge3A_398 = arith.cmpi sge, %sub3A_395, %ge3A_397 : vector<16xi32>
        %lt3A_399 = arith.constant 256 : i32
        %lt3A_400 = vector.broadcast %lt3A_399 : i32 to vector<16xi32>
        %lt3A_401 = arith.cmpi slt, %sub3A_395, %lt3A_400 : vector<16xi32>
        %and3A_402 = arith.andi %ge3A_398, %lt3A_401 : vector<16xi1>
        tpu.vector_store_idx %arg6[%sub3A_395, %add3A_390], %broadcast_in_dim3A_37 masked %and3A_402 : memref<256x128xf32, #tpu.memory_space<vmem>>[vector<16xi32>, vector<16xi32>], vector<16xf32>, vector<16xi1>
        %add3A_403 = arith.constant 64 : i32
        %add3A_404 = vector.broadcast %add3A_403 : i32 to vector<16xi32>
        %add3A_405 = arith.addi %add3A_404, %iota3A : vector<16xi32>
        %get3A_406 = arith.index_cast %sub3A_342 : i32 to index
        %get3A_407 = arith.constant 64 : index
        %get3A_408 = tpu.vector_load %arg4[%get3A_406, %get3A_407] {strides = array<i32>} : memref<50x128xi32, #tpu.memory_space<vmem>>, vector<16xi32>,
        %sub3A_409 = vector.broadcast %mul3A_32 : i32 to vector<16xi32>
        %sub3A_410 = arith.subi %get3A_408, %sub3A_409 : vector<16xi32>
        %ge3A_411 = arith.constant 0 : i32
        %ge3A_412 = vector.broadcast %ge3A_411 : i32 to vector<16xi32>
        %ge3A_413 = arith.cmpi sge, %sub3A_410, %ge3A_412 : vector<16xi32>
        %lt3A_414 = arith.constant 256 : i32
        %lt3A_415 = vector.broadcast %lt3A_414 : i32 to vector<16xi32>
        %lt3A_416 = arith.cmpi slt, %sub3A_410, %lt3A_415 : vector<16xi32>
        %and3A_417 = arith.andi %ge3A_413, %lt3A_416 : vector<16xi1>
        tpu.vector_store_idx %arg6[%sub3A_410, %add3A_405], %broadcast_in_dim3A_37 masked %and3A_417 : memref<256x128xf32, #tpu.memory_space<vmem>>[vector<16xi32>, vector<16xi32>], vector<16xf32>, vector<16xi1>
        %add3A_418 = arith.constant 80 : i32
        %add3A_419 = vector.broadcast %add3A_418 : i32 to vector<16xi32>
        %add3A_420 = arith.addi %add3A_419, %iota3A : vector<16xi32>
        %get3A_421 = arith.index_cast %sub3A_342 : i32 to index
        %get3A_422 = arith.constant 80 : index
        %get3A_423 = tpu.vector_load %arg4[%get3A_421, %get3A_422] {strides = array<i32>} : memref<50x128xi32, #tpu.memory_space<vmem>>, vector<16xi32>,
        %sub3A_424 = vector.broadcast %mul3A_32 : i32 to vector<16xi32>
        %sub3A_425 = arith.subi %get3A_423, %sub3A_424 : vector<16xi32>
        %ge3A_426 = arith.constant 0 : i32
        %ge3A_427 = vector.broadcast %ge3A_426 : i32 to vector<16xi32>
        %ge3A_428 = arith.cmpi sge, %sub3A_425, %ge3A_427 : vector<16xi32>
        %lt3A_429 = arith.constant 256 : i32
        %lt3A_430 = vector.broadcast %lt3A_429 : i32 to vector<16xi32>
        %lt3A_431 = arith.cmpi slt, %sub3A_425, %lt3A_430 : vector<16xi32>
        %and3A_432 = arith.andi %ge3A_428, %lt3A_431 : vector<16xi1>
        tpu.vector_store_idx %arg6[%sub3A_425, %add3A_420], %broadcast_in_dim3A_37 masked %and3A_432 : memref<256x128xf32, #tpu.memory_space<vmem>>[vector<16xi32>, vector<16xi32>], vector<16xf32>, vector<16xi1>
        %add3A_433 = arith.constant 96 : i32
        %add3A_434 = vector.broadcast %add3A_433 : i32 to vector<16xi32>
        %add3A_435 = arith.addi %add3A_434, %iota3A : vector<16xi32>
        %get3A_436 = arith.index_cast %sub3A_342 : i32 to index
        %get3A_437 = arith.constant 96 : index
        %get3A_438 = tpu.vector_load %arg4[%get3A_436, %get3A_437] {strides = array<i32>} : memref<50x128xi32, #tpu.memory_space<vmem>>, vector<16xi32>,
        %sub3A_439 = vector.broadcast %mul3A_32 : i32 to vector<16xi32>
        %sub3A_440 = arith.subi %get3A_438, %sub3A_439 : vector<16xi32>
        %ge3A_441 = arith.constant 0 : i32
        %ge3A_442 = vector.broadcast %ge3A_441 : i32 to vector<16xi32>
        %ge3A_443 = arith.cmpi sge, %sub3A_440, %ge3A_442 : vector<16xi32>
        %lt3A_444 = arith.constant 256 : i32
        %lt3A_445 = vector.broadcast %lt3A_444 : i32 to vector<16xi32>
        %lt3A_446 = arith.cmpi slt, %sub3A_440, %lt3A_445 : vector<16xi32>
        %and3A_447 = arith.andi %ge3A_443, %lt3A_446 : vector<16xi1>
        tpu.vector_store_idx %arg6[%sub3A_440, %add3A_435], %broadcast_in_dim3A_37 masked %and3A_447 : memref<256x128xf32, #tpu.memory_space<vmem>>[vector<16xi32>, vector<16xi32>], vector<16xf32>, vector<16xi1>
        %add3A_448 = arith.constant 112 : i32
        %add3A_449 = vector.broadcast %add3A_448 : i32 to vector<16xi32>
        %add3A_450 = arith.addi %add3A_449, %iota3A : vector<16xi32>
        %get3A_451 = arith.index_cast %sub3A_342 : i32 to index
        %get3A_452 = arith.constant 112 : index
        %get3A_453 = tpu.vector_load %arg4[%get3A_451, %get3A_452] {strides = array<i32>} : memref<50x128xi32, #tpu.memory_space<vmem>>, vector<16xi32>,
        %sub3A_454 = vector.broadcast %mul3A_32 : i32 to vector<16xi32>
        %sub3A_455 = arith.subi %get3A_453, %sub3A_454 : vector<16xi32>
        %ge3A_456 = arith.constant 0 : i32
        %ge3A_457 = vector.broadcast %ge3A_456 : i32 to vector<16xi32>
        %ge3A_458 = arith.cmpi sge, %sub3A_455, %ge3A_457 : vector<16xi32>
        %lt3A_459 = arith.constant 256 : i32
        %lt3A_460 = vector.broadcast %lt3A_459 : i32 to vector<16xi32>
        %lt3A_461 = arith.cmpi slt, %sub3A_455, %lt3A_460 : vector<16xi32>
        %and3A_462 = arith.andi %ge3A_458, %lt3A_461 : vector<16xi1>
        tpu.vector_store_idx %arg6[%sub3A_455, %add3A_450], %broadcast_in_dim3A_37 masked %and3A_462 : memref<256x128xf32, #tpu.memory_space<vmem>>[vector<16xi32>, vector<16xi32>], vector<16xf32>, vector<16xi1>
      } else {
      }
      %add3A_207 = arith.constant 0 : i32
      %add3A_208 = vector.broadcast %add3A_207 : i32 to vector<16xi32>
      %add3A_209 = arith.addi %add3A_208, %iota3A : vector<16xi32>
      %get3A_210 = arith.index_cast %add3A_201 : i32 to index
      %get3A_211 = arith.constant 0 : index
      %get3A_212 = tpu.vector_load %arg4[%get3A_210, %get3A_211] {strides = array<i32>} : memref<50x128xi32, #tpu.memory_space<vmem>>, vector<16xi32>,
      %sub3A_213 = vector.broadcast %mul3A_32 : i32 to vector<16xi32>
      %sub3A_214 = arith.subi %get3A_212, %sub3A_213 : vector<16xi32>
      %ge3A_215 = arith.constant 0 : i32
      %ge3A_216 = vector.broadcast %ge3A_215 : i32 to vector<16xi32>
      %ge3A_217 = arith.cmpi sge, %sub3A_214, %ge3A_216 : vector<16xi32>
      %lt3A_218 = arith.constant 256 : i32
      %lt3A_219 = vector.broadcast %lt3A_218 : i32 to vector<16xi32>
      %lt3A_220 = arith.cmpi slt, %sub3A_214, %lt3A_219 : vector<16xi32>
      %and3A_221 = arith.andi %ge3A_217, %lt3A_220 : vector<16xi1>
      tpu.vector_store_idx %arg6[%sub3A_214, %add3A_209], %broadcast_in_dim3A_35 masked %and3A_221 : memref<256x128xf32, #tpu.memory_space<vmem>>[vector<16xi32>, vector<16xi32>], vector<16xf32>, vector<16xi1>
      %add3A_222 = arith.constant 16 : i32
      %add3A_223 = vector.broadcast %add3A_222 : i32 to vector<16xi32>
      %add3A_224 = arith.addi %add3A_223, %iota3A : vector<16xi32>
      %get3A_225 = arith.index_cast %add3A_201 : i32 to index
      %get3A_226 = arith.constant 16 : index
      %get3A_227 = tpu.vector_load %arg4[%get3A_225, %get3A_226] {strides = array<i32>} : memref<50x128xi32, #tpu.memory_space<vmem>>, vector<16xi32>,
      %sub3A_228 = vector.broadcast %mul3A_32 : i32 to vector<16xi32>
      %sub3A_229 = arith.subi %get3A_227, %sub3A_228 : vector<16xi32>
      %ge3A_230 = arith.constant 0 : i32
      %ge3A_231 = vector.broadcast %ge3A_230 : i32 to vector<16xi32>
      %ge3A_232 = arith.cmpi sge, %sub3A_229, %ge3A_231 : vector<16xi32>
      %lt3A_233 = arith.constant 256 : i32
      %lt3A_234 = vector.broadcast %lt3A_233 : i32 to vector<16xi32>
      %lt3A_235 = arith.cmpi slt, %sub3A_229, %lt3A_234 : vector<16xi32>
      %and3A_236 = arith.andi %ge3A_232, %lt3A_235 : vector<16xi1>
      tpu.vector_store_idx %arg6[%sub3A_229, %add3A_224], %broadcast_in_dim3A_35 masked %and3A_236 : memref<256x128xf32, #tpu.memory_space<vmem>>[vector<16xi32>, vector<16xi32>], vector<16xf32>, vector<16xi1>
      %add3A_237 = arith.constant 32 : i32
      %add3A_238 = vector.broadcast %add3A_237 : i32 to vector<16xi32>
      %add3A_239 = arith.addi %add3A_238, %iota3A : vector<16xi32>
      %get3A_240 = arith.index_cast %add3A_201 : i32 to index
      %get3A_241 = arith.constant 32 : index
      %get3A_242 = tpu.vector_load %arg4[%get3A_240, %get3A_241] {strides = array<i32>} : memref<50x128xi32, #tpu.memory_space<vmem>>, vector<16xi32>,
      %sub3A_243 = vector.broadcast %mul3A_32 : i32 to vector<16xi32>
      %sub3A_244 = arith.subi %get3A_242, %sub3A_243 : vector<16xi32>
      %ge3A_245 = arith.constant 0 : i32
      %ge3A_246 = vector.broadcast %ge3A_245 : i32 to vector<16xi32>
      %ge3A_247 = arith.cmpi sge, %sub3A_244, %ge3A_246 : vector<16xi32>
      %lt3A_248 = arith.constant 256 : i32
      %lt3A_249 = vector.broadcast %lt3A_248 : i32 to vector<16xi32>
      %lt3A_250 = arith.cmpi slt, %sub3A_244, %lt3A_249 : vector<16xi32>
      %and3A_251 = arith.andi %ge3A_247, %lt3A_250 : vector<16xi1>
      tpu.vector_store_idx %arg6[%sub3A_244, %add3A_239], %broadcast_in_dim3A_35 masked %and3A_251 : memref<256x128xf32, #tpu.memory_space<vmem>>[vector<16xi32>, vector<16xi32>], vector<16xf32>, vector<16xi1>
      %add3A_252 = arith.constant 48 : i32
      %add3A_253 = vector.broadcast %add3A_252 : i32 to vector<16xi32>
      %add3A_254 = arith.addi %add3A_253, %iota3A : vector<16xi32>
      %get3A_255 = arith.index_cast %add3A_201 : i32 to index
      %get3A_256 = arith.constant 48 : index
      %get3A_257 = tpu.vector_load %arg4[%get3A_255, %get3A_256] {strides = array<i32>} : memref<50x128xi32, #tpu.memory_space<vmem>>, vector<16xi32>,
      %sub3A_258 = vector.broadcast %mul3A_32 : i32 to vector<16xi32>
      %sub3A_259 = arith.subi %get3A_257, %sub3A_258 : vector<16xi32>
      %ge3A_260 = arith.constant 0 : i32
      %ge3A_261 = vector.broadcast %ge3A_260 : i32 to vector<16xi32>
      %ge3A_262 = arith.cmpi sge, %sub3A_259, %ge3A_261 : vector<16xi32>
      %lt3A_263 = arith.constant 256 : i32
      %lt3A_264 = vector.broadcast %lt3A_263 : i32 to vector<16xi32>
      %lt3A_265 = arith.cmpi slt, %sub3A_259, %lt3A_264 : vector<16xi32>
      %and3A_266 = arith.andi %ge3A_262, %lt3A_265 : vector<16xi1>
      tpu.vector_store_idx %arg6[%sub3A_259, %add3A_254], %broadcast_in_dim3A_35 masked %and3A_266 : memref<256x128xf32, #tpu.memory_space<vmem>>[vector<16xi32>, vector<16xi32>], vector<16xf32>, vector<16xi1>
      %add3A_267 = arith.constant 64 : i32
      %add3A_268 = vector.broadcast %add3A_267 : i32 to vector<16xi32>
      %add3A_269 = arith.addi %add3A_268, %iota3A : vector<16xi32>
      %get3A_270 = arith.index_cast %add3A_201 : i32 to index
      %get3A_271 = arith.constant 64 : index
      %get3A_272 = tpu.vector_load %arg4[%get3A_270, %get3A_271] {strides = array<i32>} : memref<50x128xi32, #tpu.memory_space<vmem>>, vector<16xi32>,
      %sub3A_273 = vector.broadcast %mul3A_32 : i32 to vector<16xi32>
      %sub3A_274 = arith.subi %get3A_272, %sub3A_273 : vector<16xi32>
      %ge3A_275 = arith.constant 0 : i32
      %ge3A_276 = vector.broadcast %ge3A_275 : i32 to vector<16xi32>
      %ge3A_277 = arith.cmpi sge, %sub3A_274, %ge3A_276 : vector<16xi32>
      %lt3A_278 = arith.constant 256 : i32
      %lt3A_279 = vector.broadcast %lt3A_278 : i32 to vector<16xi32>
      %lt3A_280 = arith.cmpi slt, %sub3A_274, %lt3A_279 : vector<16xi32>
      %and3A_281 = arith.andi %ge3A_277, %lt3A_280 : vector<16xi1>
      tpu.vector_store_idx %arg6[%sub3A_274, %add3A_269], %broadcast_in_dim3A_35 masked %and3A_281 : memref<256x128xf32, #tpu.memory_space<vmem>>[vector<16xi32>, vector<16xi32>], vector<16xf32>, vector<16xi1>
      %add3A_282 = arith.constant 80 : i32
      %add3A_283 = vector.broadcast %add3A_282 : i32 to vector<16xi32>
      %add3A_284 = arith.addi %add3A_283, %iota3A : vector<16xi32>
      %get3A_285 = arith.index_cast %add3A_201 : i32 to index
      %get3A_286 = arith.constant 80 : index
      %get3A_287 = tpu.vector_load %arg4[%get3A_285, %get3A_286] {strides = array<i32>} : memref<50x128xi32, #tpu.memory_space<vmem>>, vector<16xi32>,
      %sub3A_288 = vector.broadcast %mul3A_32 : i32 to vector<16xi32>
      %sub3A_289 = arith.subi %get3A_287, %sub3A_288 : vector<16xi32>
      %ge3A_290 = arith.constant 0 : i32
      %ge3A_291 = vector.broadcast %ge3A_290 : i32 to vector<16xi32>
      %ge3A_292 = arith.cmpi sge, %sub3A_289, %ge3A_291 : vector<16xi32>
      %lt3A_293 = arith.constant 256 : i32
      %lt3A_294 = vector.broadcast %lt3A_293 : i32 to vector<16xi32>
      %lt3A_295 = arith.cmpi slt, %sub3A_289, %lt3A_294 : vector<16xi32>
      %and3A_296 = arith.andi %ge3A_292, %lt3A_295 : vector<16xi1>
      tpu.vector_store_idx %arg6[%sub3A_289, %add3A_284], %broadcast_in_dim3A_35 masked %and3A_296 : memref<256x128xf32, #tpu.memory_space<vmem>>[vector<16xi32>, vector<16xi32>], vector<16xf32>, vector<16xi1>
      %add3A_297 = arith.constant 96 : i32
      %add3A_298 = vector.broadcast %add3A_297 : i32 to vector<16xi32>
      %add3A_299 = arith.addi %add3A_298, %iota3A : vector<16xi32>
      %get3A_300 = arith.index_cast %add3A_201 : i32 to index
      %get3A_301 = arith.constant 96 : index
      %get3A_302 = tpu.vector_load %arg4[%get3A_300, %get3A_301] {strides = array<i32>} : memref<50x128xi32, #tpu.memory_space<vmem>>, vector<16xi32>,
      %sub3A_303 = vector.broadcast %mul3A_32 : i32 to vector<16xi32>
      %sub3A_304 = arith.subi %get3A_302, %sub3A_303 : vector<16xi32>
      %ge3A_305 = arith.constant 0 : i32
      %ge3A_306 = vector.broadcast %ge3A_305 : i32 to vector<16xi32>
      %ge3A_307 = arith.cmpi sge, %sub3A_304, %ge3A_306 : vector<16xi32>
      %lt3A_308 = arith.constant 256 : i32
      %lt3A_309 = vector.broadcast %lt3A_308 : i32 to vector<16xi32>
      %lt3A_310 = arith.cmpi slt, %sub3A_304, %lt3A_309 : vector<16xi32>
      %and3A_311 = arith.andi %ge3A_307, %lt3A_310 : vector<16xi1>
      tpu.vector_store_idx %arg6[%sub3A_304, %add3A_299], %broadcast_in_dim3A_35 masked %and3A_311 : memref<256x128xf32, #tpu.memory_space<vmem>>[vector<16xi32>, vector<16xi32>], vector<16xf32>, vector<16xi1>
      %add3A_312 = arith.constant 112 : i32
      %add3A_313 = vector.broadcast %add3A_312 : i32 to vector<16xi32>
      %add3A_314 = arith.addi %add3A_313, %iota3A : vector<16xi32>
      %get3A_315 = arith.index_cast %add3A_201 : i32 to index
      %get3A_316 = arith.constant 112 : index
      %get3A_317 = tpu.vector_load %arg4[%get3A_315, %get3A_316] {strides = array<i32>} : memref<50x128xi32, #tpu.memory_space<vmem>>, vector<16xi32>,
      %sub3A_318 = vector.broadcast %mul3A_32 : i32 to vector<16xi32>
      %sub3A_319 = arith.subi %get3A_317, %sub3A_318 : vector<16xi32>
      %ge3A_320 = arith.constant 0 : i32
      %ge3A_321 = vector.broadcast %ge3A_320 : i32 to vector<16xi32>
      %ge3A_322 = arith.cmpi sge, %sub3A_319, %ge3A_321 : vector<16xi32>
      %lt3A_323 = arith.constant 256 : i32
      %lt3A_324 = vector.broadcast %lt3A_323 : i32 to vector<16xi32>
      %lt3A_325 = arith.cmpi slt, %sub3A_319, %lt3A_324 : vector<16xi32>
      %and3A_326 = arith.andi %ge3A_322, %lt3A_325 : vector<16xi1>
      tpu.vector_store_idx %arg6[%sub3A_319, %add3A_314], %broadcast_in_dim3A_35 masked %and3A_326 : memref<256x128xf32, #tpu.memory_space<vmem>>[vector<16xi32>, vector<16xi32>], vector<16xf32>, vector<16xi1>
      %mul3A_327 = arith.constant 128 : i32
      %mul3A_328 = arith.muli %select_n3A_9, %mul3A_327 : i32
      %dma_start3A_329 = tpu.memref_slice %arg3[%add3A_201, %mul3A_32, %mul3A_328] : memref<50x1000x1024xf32, #tpu.memory_space<hbm>> -> memref<1x256x128xf32, #tpu.memory_space<hbm>>
      %dma_start3A_330 = tpu.memref_squeeze %dma_start3A_329 : memref<1x256x128xf32, #tpu.memory_space<hbm>> -> memref<256x128xf32, #tpu.memory_space<hbm>>
      %dma_start3A_331 = tpu.memref_slice %arg3[%add3A_201, %mul3A_32, %mul3A_328] : memref<50x1000x1024xf32, #tpu.memory_space<hbm>> -> memref<1x256x128xf32, #tpu.memory_space<hbm>>
      %dma_start3A_332 = tpu.memref_squeeze %dma_start3A_331 : memref<1x256x128xf32, #tpu.memory_space<hbm>> -> memref<256x128xf32, #tpu.memory_space<hbm>>
      tpu.enqueue_dma source(%arg6 : memref<256x128xf32, #tpu.memory_space<vmem>>) target(%dma_start3A_332 : memref<256x128xf32, #tpu.memory_space<hbm>>) target_semaphore(%arg8 : memref<!tpu.dma_semaphore, #tpu.memory_space<semaphore_mem>>)
    }
    %scan3A_54 = arith.constant 25 : i32
    %mul3A_55 = arith.constant 128 : i32
    %mul3A_56 = arith.muli %select_n3A_9, %mul3A_55 : i32
    %dma_wait3A = arith.constant 48 : i32
    %dma_wait3A_57 = tpu.memref_slice %arg3[%dma_wait3A, %mul3A_32, %mul3A_56] : memref<50x1000x1024xf32, #tpu.memory_space<hbm>> -> memref<1x256x128xf32, #tpu.memory_space<hbm>>
    %dma_wait3A_58 = tpu.memref_squeeze %dma_wait3A_57 : memref<1x256x128xf32, #tpu.memory_space<hbm>> -> memref<256x128xf32, #tpu.memory_space<hbm>>
    %dma_wait3A_59 = tpu.memref_slice %arg3[%dma_wait3A, %mul3A_32, %mul3A_56] : memref<50x1000x1024xf32, #tpu.memory_space<hbm>> -> memref<1x256x128xf32, #tpu.memory_space<hbm>>
    %dma_wait3A_60 = tpu.memref_squeeze %dma_wait3A_59 : memref<1x256x128xf32, #tpu.memory_space<hbm>> -> memref<256x128xf32, #tpu.memory_space<hbm>>
    tpu.wait_dma2 semaphore(%arg7 : memref<!tpu.dma_semaphore, #tpu.memory_space<semaphore_mem>>) src(%arg5 : memref<256x128xf32, #tpu.memory_space<vmem>>) dst(%dma_wait3A_60 : memref<256x128xf32, #tpu.memory_space<hbm>>)
    %mul3A_61 = arith.constant 128 : i32
    %mul3A_62 = arith.muli %select_n3A_9, %mul3A_61 : i32
    %dma_wait3A_63 = arith.constant 49 : i32
    %dma_wait3A_64 = tpu.memref_slice %arg3[%dma_wait3A_63, %mul3A_32, %mul3A_62] : memref<50x1000x1024xf32, #tpu.memory_space<hbm>> -> memref<1x256x128xf32, #tpu.memory_space<hbm>>
    %dma_wait3A_65 = tpu.memref_squeeze %dma_wait3A_64 : memref<1x256x128xf32, #tpu.memory_space<hbm>> -> memref<256x128xf32, #tpu.memory_space<hbm>>
    %dma_wait3A_66 = tpu.memref_slice %arg3[%dma_wait3A_63, %mul3A_32, %mul3A_62] : memref<50x1000x1024xf32, #tpu.memory_space<hbm>> -> memref<1x256x128xf32, #tpu.memory_space<hbm>>
    %dma_wait3A_67 = tpu.memref_squeeze %dma_wait3A_66 : memref<1x256x128xf32, #tpu.memory_space<hbm>> -> memref<256x128xf32, #tpu.memory_space<hbm>>
    tpu.wait_dma2 semaphore(%arg8 : memref<!tpu.dma_semaphore, #tpu.memory_space<semaphore_mem>>) src(%arg6 : memref<256x128xf32, #tpu.memory_space<vmem>>) dst(%dma_wait3A_67 : memref<256x128xf32, #tpu.memory_space<hbm>>)
    return
  }
}

</mosaic_0001>

<sc_bundles>
// kernel: kernel.3.cloned.1.call-start
scs
__scs_entry_jumppad:
0x0: {  	(pc) =	sbr.rel $0x88, $3  }
0x1: {  	(tag) =	ssettag $0x0;
	lr =	simm.s32 $0x1  }
0x2: {  	[smem:$0x3FA0] =	sst lr;
	_ =	strace $0xD0000000  }
0x3: {  	_ = 	snop  }
0x4: {  	_ = 	snop  }
0x5: {  	_ = 	snop  }
0x6: {  	_ = 	snop  }
0x7: {  	_ = 	snop  }
__scs_overlays_trampoline_lowered:
0x8: {  	[smem:$0x3FAF] =	sst s0  }
0x9: {  	[smem:$0x3FB0] =	sst s1  }
0xa: {  	[smem:$0x3FB1] =	sst s2  }
0xb: {  	[smem:$0x3FB2] =	sst s3  }
0xc: {  	[smem:$0x3FB3] =	sst s4  }
0xd: {  	[smem:$0x3FB4] =	sst s5  }
0xe: {  	[smem:$0x3FB5] =	sst s6  }
0xf: {  	[smem:$0x3FB6] =	sst s7  }
0x10: {  	[smem:$0x3FB7] =	sst s8  }
0x11: {  	[smem:$0x3FB8] =	sst s9;
	s0 =	simm.s32 @!p0 $0x0  }
0x12: {  	s1 =	sld [smem:$0x3F9E];
	s0 =	simm.s32 @p0 $0x1  }
0x13: {  	[smem:$0x3FB9] =	sst s0;
	s0 =	simm.s32 @!p1 $0x0  }
0x14: {  	s2 =	sld [smem:$0x3F9D];
	s0 =	simm.s32 @p1 $0x1  }
0x15: {  	[smem:$0x3FBA] =	sst s0;
	s0 =	simm.s32 @!p2 $0x0  }
0x16: {  	s3 =	sld [smem:$0x3FDB];
	s0 =	simm.s32 @p2 $0x1  }
0x17: {  	s4 =	simm.s32 $0x1BF5;
	[smem:$0x3FBC] =	sst s0  }
0x18: {  	s0 =	sld [smem:$0x3F9F];
	_ =	swait.ge [sflag:s4], $0x0  }
0x19: {  	s7 =	sld [smem:$0x3FA0]  }
0x1a: {  	s8 =	sadd.s32 $0xFFFFE003, lr  }
0x1b: {  	s9 =	sadd.s32 $0xFFFFFEF7, lr;
	s5 =	simm.s32 $0xFFFFFFFF;
	p2 =	slt.u32 s8, $0xFFFFF086  }
0x1c: {  	p1 =	slt.u32 s9, $0xF7A;
	s5 =	simm.s32 @!p2 $0x0  }
0x1d: {  	s5 =	simm.s32 @p1 $0x1;
	p0 =	seq.s32 s7, s2  }
0x1e: {  	s7 =	smul.u32 @!p0 $0xF7A, s2;
	p2 =	seq.s32 @!p0 s5, $0x0  }
0x1f: {  	s9 =	smul.u32 $0xF7A, s1;
	s8 =	simm.s32 @!p0 $0x1BF5;
	p2 =	por !p2, p0  }
0x20: {  	[sflag:s8] =	ssyncset.s32 @!p0 $0xFFFFF086;
	s6 =	sadd.s32 @!p0 s3, s7;
	s7 =	simm.s32 @!p0 $0x108  }
0x21: {  	s3 =	sadd.s32 s3, s9;
	s6 =	sadd.s32 @!p0 $0x88, s6;
	s7 =	simm.s32 @p2 $0x1082  }
0x22: {  	[simem:s7], [sflag:s8] =	dma.local @!p0 [hbm:s6], $0xF7A  }
0x23: {  	s9 =	sor.u32 $0xD0000000, s2;
	s6 =	simm.s32 $0x108;
	_ =	swait.ge @!p0 [sflag:s8], $0x0  }
0x24: {  	s3 =	sadd.s32 $0x88, s3;
	s6 =	simm.s32 @!p1 $0x1082;
	[sflag:s4] =	ssyncset.s32 $0xFFFFF086  }
0x25: {  	[simem:s6], [sflag:s4] =	dma.local [hbm:s3], $0xF7A  }
0x26: {  	[smem:$0x3FA0] =	sst s1;
	(tag) =	ssettag s2;
	_ =	strace s9  }
0x27: {  	s1 =	sld [smem:$0x3FB0]  }
0x28: {  	s2 =	sld [smem:$0x3FB1]  }
0x29: {  	s4 =	sld [smem:$0x3FB3]  }
0x2a: {  	p0 =	seq.s32 s5, $0x0;
	s5 =	sld [smem:$0x3FB4]  }
0x2b: {  	s6 =	sld [smem:$0x3FB5]  }
0x2c: {  	s7 =	sld [smem:$0x3FB6]  }
0x2d: {  	s3 =	simm.s32 $0x108;
	s8 =	sld [smem:$0x3FB7]  }
0x2e: {  	s3 =	simm.s32 @!p0 $0x1082;
	s9 =	sld [smem:$0x3FB8]  }
0x2f: {  	lr =	sadd.s32 s0, s3;
	s0 =	sld [smem:$0x3FAF]  }
0x30: {  	s3 =	sld [smem:$0x3FB2]  }
0x31: {  	[smem:$0x3FBB] =	sst s10  }
0x32: {  	s10 =	sld [smem:$0x3FB9];
	_ =	sdelay $0x3  }
0x33: {  	p0 =	seq.s32 s10, $0x1;
	s10 =	sld [smem:$0x3FBB];
	_ =	sdelay $0x3  }
0x34: {  	[smem:$0x3FBB] =	sst s10  }
0x35: {  	s10 =	sld [smem:$0x3FBA];
	_ =	sdelay $0x3  }
0x36: {  	p1 =	seq.s32 s10, $0x1;
	s10 =	sld [smem:$0x3FBB];
	_ =	sdelay $0x3  }
0x37: {  	[smem:$0x3FBB] =	sst s10  }
0x38: {  	s10 =	sld [smem:$0x3FBC]  }
0x39: {  	_ = 	snop;
	(pc) =	sbr.ind lr, $3  }
0x3a: {  	_ = 	snop  }
0x3b: {  	_ = 	snop  }
0x3c: {  	p2 =	seq.s32 s10, $0x1;
	s10 =	sld [smem:$0x3FBB]  }
0x3d: {  	_ =	shalt  }
0x3e: {  	_ =	shalt  }
0x3f: {  	_ =	shalt  }
0x40: {  	_ =	shalt  }
0x41: {  	_ =	shalt  }
0x42: {  	_ =	shalt  }
0x43: {  	_ =	shalt  }
0x44: {  	_ =	shalt  }
0x45: {  	_ =	shalt  }
0x46: {  	_ =	shalt  }
0x47: {  	_ =	shalt  }
0x48: {  	_ =	shalt  }
0x49: {  	_ =	shalt  }
0x4a: {  	_ =	shalt  }
0x4b: {  	_ =	shalt  }
0x4c: {  	_ =	shalt  }
0x4d: {  	_ =	shalt  }
0x4e: {  	_ =	shalt  }
0x4f: {  	_ =	shalt  }
0x50: {  	_ =	shalt  }
0x51: {  	_ =	shalt  }
0x52: {  	_ =	shalt  }
0x53: {  	_ =	shalt  }
0x54: {  	_ =	shalt  }
0x55: {  	_ =	shalt  }
0x56: {  	_ =	shalt  }
0x57: {  	_ =	shalt  }
0x58: {  	_ =	shalt  }
0x59: {  	_ =	shalt  }
0x5a: {  	_ =	shalt  }
0x5b: {  	_ =	shalt  }
0x5c: {  	_ =	shalt  }
0x5d: {  	_ =	shalt  }
0x5e: {  	_ =	shalt  }
0x5f: {  	_ =	shalt  }
0x60: {  	_ =	shalt  }
0x61: {  	_ =	shalt  }
0x62: {  	_ =	shalt  }
0x63: {  	_ =	shalt  }
0x64: {  	_ =	shalt  }
0x65: {  	_ =	shalt  }
0x66: {  	_ =	shalt  }
0x67: {  	_ =	shalt  }
0x68: {  	_ =	shalt  }
0x69: {  	_ =	shalt  }
0x6a: {  	_ =	shalt  }
0x6b: {  	_ =	shalt  }
0x6c: {  	_ =	shalt  }
0x6d: {  	_ =	shalt  }
0x6e: {  	_ =	shalt  }
0x6f: {  	_ =	shalt  }
0x70: {  	_ =	shalt  }
0x71: {  	_ =	shalt  }
0x72: {  	_ =	shalt  }
0x73: {  	_ =	shalt  }
0x74: {  	_ =	shalt  }
0x75: {  	_ =	shalt  }
0x76: {  	_ =	shalt  }
0x77: {  	_ =	shalt  }
0x78: {  	_ =	shalt  }
0x79: {  	_ =	shalt  }
0x7a: {  	_ =	shalt  }
0x7b: {  	_ =	shalt  }
0x7c: {  	_ =	shalt  }
0x7d: {  	_ =	shalt  }
0x7e: {  	_ =	shalt  }
0x7f: {  	_ =	shalt  }
0x80: {  	_ =	shalt  }
0x81: {  	_ =	shalt  }
0x82: {  	_ =	shalt  }
0x83: {  	_ =	shalt  }
0x84: {  	_ =	shalt  }
0x85: {  	_ =	shalt  }
0x86: {  	_ =	shalt  }
0x87: {  	_ =	shalt  }
.Lfunc_end0:
.L_simem_size_0:
called_computation_lowered:
.L_overlay_start_0:
0x88: {  	s2 =	sld [smem:$0x3FD9]  }
0x89: {  	s3 =	sld [smem:$0x3FFE];
	_ =	sdelay $0x1  }
0x8a: {  	s1 =	srdreg.scid  }
0x8b: {  	s0 =	sand.u32 $0x1, s1  }
0x8c: {  	s18 =	sshll.u32 s0, $0xA;
	s2 =	sadd.s32 s3, s2  }
0x8d: {  	s2 =	sadd.s32 s2, s18  }
0x8e: {  	[smem:$0x3FC7] =	sst s2  }
0x8f: {  	_ = 	snop  }
0x90: {  	s2 =	sld [smem:$0x3FC9]  }
0x91: {  	s19 =	sld [smem:$0x3FD0];
	(tm) =	ssettm $0x1  }
0x92: {  	s4 =	sld [smem:$0x3FFB];
	_ =	sdelay $0x3  }
0x93: {  	_ =	strace s4  }
0x94: {  	s4 =	sld [smem:$0x3FFC];
	_ =	sdelay $0x3  }
0x95: {  	_ =	strace s4  }
0x96: {  	s4 =	sld [smem:$0x3FFD];
	_ =	sdelay $0x3  }
0x97: {  	_ =	strace s4  }
0x98: {  	_ =	strace $0x8FFFFFFF  }
0x99: {  	s20 =	sld [smem:$0x3FDB];
	_ =	sdelay $0x1  }
0x9a: {  	s5 =	simm.s32 $_scs_section_size  }
0x9b: {  	s6 =	simm.s32 $_size__tile_overlayer_lowered;
	s7 =	simm.s32 $_tile_overlayer_lowered  }
0x9c: {  	s23 =	simm.s32 $0x1BFF;
	s22 =	sshll.u32 s7, $0x1;
	s4 =	sadd.s32 s5, s20  }
0x9d: {  	s8 =	simm.s32 $0x0;
	s21 =	sshll.u32 s6, $0x1;
	s6 =	sadd.s32 s22, s4  }
0x9e: {  	[timem:s8], [sflag:s23] =	dma.local [hbm:s6], s21  }
0x9f: {  	_ =	swait.ge [sflag:s23], s21  }
0xa0: {  	s5 =	ssub.s32 $0x0, s21;
	[sflag:s23] =	ssyncset.done $0x0  }
0xa1: {  	[sflag:s23] =	ssyncadd.s32 s5;
	_ =	sdelay $0x1  }
0xa2: {  	s24 =	simm.s32 $0x1B8B  }
0xa3: {  	_ =	swait.ge [sflag:s24], $0x1  }
0xa4: {  	[sflag:s24] =	ssyncset.done $0x0  }
0xa5: {  	s25 =	simm.s32 $0x1B8E;
	[sflag:s24] =	ssyncadd.s32 $0xFFFFFFFF  }
0xa6: {  	s26 =	simm.s32 $execute0_lowered;
	[smem:$0x3FD2] =	sst s25  }
0xa7: {  	s5 =	sshll.u32 s26, $0x1;
	_ =	strace $0x80000046;
	[dreg:$0x1] =	wrdreg $0xFFFFFFFF  }
0xa8: {  	s28 =	simm.s32 $_size_execute0_lowered;
	s4 =	sadd.s32 s4, s5;
	[dreg:$0x0] =	wrdreg $0x0  }
0xa9: {  	s5 =	sshll.u32 s28, $0x1;
	[dreg:$0x2] =	wrdreg s4  }
0xaa: {  	[dreg:$0x3] =	wrdreg s5  }
0xab: {  	[dreg:$0x4] =	wrdreg $0xC0  }
0xac: {  	_ =	task [dreg:s8], $0x5FFFF  }
0xad: {  	[dreg:$0x1] =	wrdreg $0xFFFFFFFF  }
0xae: {  	[dreg:$0x0] =	wrdreg $0x60  }
0xaf: {  	[dreg:$0x2] =	wrdreg s2  }
0xb0: {  	[dreg:$0x3] =	wrdreg s19  }
0xb1: {  	[dreg:$0x4] =	wrdreg $0x9  }
0xb2: {  	_ =	task.clear_ibuf [dreg:s8], $0x5FFFF;
	_ =	strace $0x90000046  }
0xb3: {  	s29 =	simm.s32 $0x9;
	_ =	strace $0x80000048  }
0xb4: {  	_ =	swait.ge [sflag:s29], $0x1  }
0xb5: {  	[sflag:s29] =	ssyncadd.s32 $0xFFFFFFFF  }
0xb6: {  	_ =	strace $0x90000048  }
0xb7: {  	_ =	sfence  }
0xb8: {  	s30 =	sld [smem:$0x0];
	_ =	sdelay $0x2  }
0xb9: {  	s31 =	sshll.u32 s1, $0xD;
	s1 =	sshrl.u32 s1, $0x2  }
0xba: {  	s3 =	sand.u32 $0x4000, s31;
	s1 =	sadd.s32 s1, s30  }
0xbb: {  	s0 =	sor.u32 s3, s0;
	s1 =	sshll.u32 s1, $0x11  }
0xbc: {  	s0 =	sor.u32 s1, s0  }
0xbd: {  	s0 =	sadd.s32 $0x8F2B, s0  }
0xbe: {  	[sflag:s0] =	ssyncadd.remote.s32 $0x1  }
0xbf: {  	_ =	sfence.sel $0xFFFF  }
0xc0: {  	[dreg:$0x0] =	wrdreg $0xFFFFFFFF;
	(pc) =	sbr.abs _section_cstart, $3  }
0xc1: {  	[dreg:$0x1] =	wrdreg $0xFFFFFFFF  }
0xc2: {  	_ =	task.clear_ibuf [dreg:s8], $0x2FFFF;
	_ =	strace $0x9FFFFFFF  }
0xc3: {  	(tm) =	ssettm $0x7FFFFFFF  }
tec
execute0_lowered:
.L_overlay_start_1:
0x0: {  	(tag) =	ssettag $0x1  }
0x1: {  	s3 =	rddreg [dreg:$0x0]  }
0x2: {  	s7 =	rddreg [dreg:$0x1]  }
0x3: {  	s0 =	rddreg [dreg:$0x2];
	s2 =	simm.s32 $0x0;
	s4 =	srdreg.scid  }
0x4: {  	s1 =	stileid.u32;
	s12 =	simm.s32 $0x1C00;
	s13 =	simm.s32 $0x9C00  }
0x5: {  	s14 =	simm.s32 $0x1;
	s15 =	simm.s32 $0x2;
	s16 =	simm.s32 $0x0  }
0x6: {  	[smem:$0x7FF] =	sst s2;
	s4 =	sand.u32 $0x1, s4;
	s6 =	sshrl.u32 s1, $0x2  }
0x7: {  	s8 =	sshll.u32 s1, $0x1;
	s10 =	sand.u32 $0x3, s1;
	_ =	strace $0x80000047  }
0x8: {  	s5 =	ssub.s32 $0x2, s4;
	s9 =	smul.u32 $0x3E000, s6;
	s8 =	sand.u32 $0x6, s8  }
0x9: {  	s10 =	sshll.u32 s10, $0xB;
	s6 =	smul.u32 $0xF8, s6;
	s11 =	sshrl.u32 s5, $0x1  }
0xa: {  	s8 =	sor.u32 s4, s8;
	s4 =	sshll.u32 s4, $0xA;
	s9 =	sor.u32 s10, s9  }
0xb: {  	s5 =	ssub.s32 s5, s11;
	s8 =	sshll.u32 s8, $0x7;
	s9 =	sor.u32 s4, s9  }
0xc: {  	v1 =	vlaneseq.u32;
	v2 =	vimm.f32 $0.0e+00;
	s10 =	simm.s32 $0x1800;
	s11 =	simm.s32 $0x3;
	s31 =	sadd.s32 $0xFA000, s9  }
0xd: {  	v3 =	vimm.f32 $1.000000000e+00;
	v4 =	vor.u32 $0x10, v1;
	v5 =	vor.u32 $0x20, v1;
	s3 =	sadd.s32 s3, s8;
	s5 =	smax.u32 s5, $0x1;
	s8 =	sshrl.u32 s31, $0x3  }
0xe: {  	v6 =	vor.u32 $0x30, v1;
	v7 =	vor.u32 $0x40, v1;
	v0 =	vmov s6;
	s4 =	sadd.s32 $0x1800, s3;
	s9 =	sshrl.u32 s9, $0x3;
	s6 =	sadd.s32 s8, s7  }
0xf: {  	v8 =	vor.u32 $0x50, v1;
	v9 =	vor.u32 $0x60, v1;
	v10 =	vor.u32 $0x70, v1;
	s7 =	sadd.s32 s9, s7;
	s8 =	simm.s32 $0x400;
	s9 =	simm.s32 $0x2000  }
.LBB2_1:
0x10: {  	[tilespmem:s2], [sflag:$0x3] =	stream.strided.gather [hbm4b:s3+s8], $0x1800, s9, s8, $0x38;
	[tilespmem:$0x11C00] =	vst v63  }
0x11: {  	_ = 	snop  }
0x12: {  	[tilespmem:s10], [sflag:$0x3] =	stream.linear.gather [hbm4b:s4+s2], $0x100, $0x38;
	[tilespmem:$0x11C00] =	vst v63  }
0x13: {  	_ =	swait.ge [sflag:s11], $0x1900  }
0x14: {  	[sflag:s11] =	ssyncset.done $0x0  }
0x15: {  	s18 =	simm.s32 $0x0;
	s17 =	simm.s32 $0x200;
	[sflag:s11] =	ssyncadd.s32 $0xFFFFE700  }
.LBB2_2:
0x16: {  	p0 =	sne.s32 s17, $0x1FE00;
	[tilespmem:s18+$0x1C70] =	vst v2  }
0x17: {  	[tilespmem:s18+$0x1C00] =	vst v2  }
0x18: {  	[tilespmem:s18+$0x1C10] =	vst v2  }
.Ltmp0:
0x19: {  	[tilespmem:s18+$0x1C20] =	vst v2;
	(pc) =	sbr.rel @p0 .LBB2_2-.Ltmp0, $4  }
0x1a: {  	[tilespmem:s18+$0x1C30] =	vst v2  }
0x1b: {  	[tilespmem:s18+$0x1C40] =	vst v2  }
0x1c: {  	[tilespmem:s18+$0x1C50] =	vst v2  }
0x1d: {  	[tilespmem:s18+$0x1C60] =	vst v2;
	s18 =	sshra.s32 s17, $0x2;
	s17 =	sadd.s32 $0x200, s17  }
0x1e: {  	[tilespmem:s18+$0x1C70] =	vst v2  }
0x1f: {  	[tilespmem:s18+$0x1C00] =	vst v2  }
0x20: {  	[tilespmem:s18+$0x1C10] =	vst v2  }
0x21: {  	[tilespmem:s18+$0x1C20] =	vst v2  }
0x22: {  	[tilespmem:s18+$0x1C30] =	vst v2  }
0x23: {  	[tilespmem:s18+$0x1C40] =	vst v2  }
0x24: {  	[tilespmem:s18+$0x1C50] =	vst v2  }
0x25: {  	s17 =	simm.s32 $0x0;
	[tilespmem:s18+$0x1C60] =	vst v2;
	s18 =	simm.s32 $0x0;
	s19 =	simm.s32 $0x200  }
.LBB2_4:
0x26: {  	p0 =	sne.s32 s19, $0x1FE00;
	[tilespmem:s18+$0x9C70] =	vst v2  }
0x27: {  	[tilespmem:s18+$0x9C00] =	vst v2  }
0x28: {  	[tilespmem:s18+$0x9C10] =	vst v2  }
.Ltmp1:
0x29: {  	[tilespmem:s18+$0x9C20] =	vst v2;
	(pc) =	sbr.rel @p0 .LBB2_4-.Ltmp1, $4  }
0x2a: {  	[tilespmem:s18+$0x9C30] =	vst v2  }
0x2b: {  	[tilespmem:s18+$0x9C40] =	vst v2  }
0x2c: {  	[tilespmem:s18+$0x9C50] =	vst v2  }
0x2d: {  	[tilespmem:s18+$0x9C60] =	vst v2;
	s18 =	sshra.s32 s19, $0x2;
	s19 =	sadd.s32 $0x200, s19  }
0x2e: {  	[tilespmem:s18+$0x9C70] =	vst v2  }
0x2f: {  	[tilespmem:s18+$0x9C00] =	vst v2  }
0x30: {  	[tilespmem:s18+$0x9C10] =	vst v2  }
0x31: {  	[tilespmem:s18+$0x9C20] =	vst v2  }
0x32: {  	[tilespmem:s18+$0x9C30] =	vst v2  }
0x33: {  	[tilespmem:s18+$0x9C40] =	vst v2  }
0x34: {  	[tilespmem:s18+$0x9C50] =	vst v2  }
0x35: {  	[tilespmem:s18+$0x9C60] =	vst v2;
	s18 =	smov.u32 s7;
	s19 =	smov.u32 s6  }
.LBB2_6:
0x36: {  	p0 =	seq.s32 s17, $0x0  }
0x37: {  	s20 =	simm.s32 @!p0 $0x1  }
0x38: {  	_ =	swait.ge @!p0 [sflag:s20], $0x8000  }
0x39: {  	[sflag:s20] =	ssyncset.done @!p0 $0x0  }
0x3a: {  	[sflag:s20] =	ssyncadd.s32 @!p0 $0xFFFF8000;
	s20 =	sshra.s32 @!p0 s17, $0x2  }
0x3b: {  	v11 =	vld @!p0 [tilespmem:s20+$0xFFFFFF00];
	_ =	sdelay $0x4  }
0x3c: {  	v11 =	vsub.s32 @!p0 v11, v0  }
0x3d: {  	v12 =	vlaneseq.u32 @!p0;
	vm0 =	vlt.u32 @!p0 v11, $0x100;
	v11 =	vshll.u32 @!p0 v11, $0x7  }
0x3e: {  	v13 =	vor.u32 @!p0 v12, v11;
	_ =	sdelay $0x3  }
0x3f: {  	s21 =	simm.s32 @!p0 $0x1C00;
	v11 =	vimm.f32 @!p0 $0.0e+00  }
0x40: {  	[tilespmem:v13+s21+$0x0] =	vst.idx.msk @!p0 vm0, v11  }
0x41: {  	v13 =	vld @!p0 [tilespmem:s20+$0xFFFFFF10];
	_ =	sdelay $0x4  }
0x42: {  	v13 =	vsub.s32 @!p0 v13, v0  }
0x43: {  	v14 =	vor.u32 @!p0 $0x10, v12;
	vm0 =	vlt.u32 @!p0 v13, $0x100;
	v13 =	vshll.u32 @!p0 v13, $0x7  }
0x44: {  	v13 =	vor.u32 @!p0 v14, v13;
	_ =	sdelay $0x4  }
0x45: {  	[tilespmem:v13+s21+$0x0] =	vst.idx.msk @!p0 vm0, v11  }
0x46: {  	v13 =	vld @!p0 [tilespmem:s20+$0xFFFFFF20];
	_ =	sdelay $0x4  }
0x47: {  	v13 =	vsub.s32 @!p0 v13, v0  }
0x48: {  	v15 =	vor.u32 @!p0 $0x20, v12;
	vm0 =	vlt.u32 @!p0 v13, $0x100;
	v13 =	vshll.u32 @!p0 v13, $0x7  }
0x49: {  	v13 =	vor.u32 @!p0 v15, v13;
	_ =	sdelay $0x4  }
0x4a: {  	[tilespmem:v13+s21+$0x0] =	vst.idx.msk @!p0 vm0, v11  }
0x4b: {  	v13 =	vld @!p0 [tilespmem:s20+$0xFFFFFF30];
	_ =	sdelay $0x4  }
0x4c: {  	v13 =	vsub.s32 @!p0 v13, v0  }
0x4d: {  	v16 =	vor.u32 @!p0 $0x30, v12;
	vm0 =	vlt.u32 @!p0 v13, $0x100;
	v13 =	vshll.u32 @!p0 v13, $0x7  }
0x4e: {  	v13 =	vor.u32 @!p0 v16, v13;
	_ =	sdelay $0x4  }
0x4f: {  	[tilespmem:v13+s21+$0x0] =	vst.idx.msk @!p0 vm0, v11  }
0x50: {  	v13 =	vld @!p0 [tilespmem:s20+$0xFFFFFF40];
	_ =	sdelay $0x4  }
0x51: {  	v13 =	vsub.s32 @!p0 v13, v0  }
0x52: {  	v17 =	vor.u32 @!p0 $0x40, v12;
	vm0 =	vlt.u32 @!p0 v13, $0x100;
	v13 =	vshll.u32 @!p0 v13, $0x7  }
0x53: {  	v13 =	vor.u32 @!p0 v17, v13;
	_ =	sdelay $0x4  }
0x54: {  	[tilespmem:v13+s21+$0x0] =	vst.idx.msk @!p0 vm0, v11  }
0x55: {  	v13 =	vld @!p0 [tilespmem:s20+$0xFFFFFF50];
	_ =	sdelay $0x4  }
0x56: {  	v13 =	vsub.s32 @!p0 v13, v0  }
0x57: {  	v18 =	vor.u32 @!p0 $0x50, v12;
	vm0 =	vlt.u32 @!p0 v13, $0x100;
	v13 =	vshll.u32 @!p0 v13, $0x7  }
0x58: {  	v13 =	vor.u32 @!p0 v18, v13;
	_ =	sdelay $0x4  }
0x59: {  	[tilespmem:v13+s21+$0x0] =	vst.idx.msk @!p0 vm0, v11  }
0x5a: {  	v13 =	vld @!p0 [tilespmem:s20+$0xFFFFFF60];
	_ =	sdelay $0x4  }
0x5b: {  	v13 =	vsub.s32 @!p0 v13, v0  }
0x5c: {  	v19 =	vor.u32 @!p0 $0x60, v12;
	vm0 =	vlt.u32 @!p0 v13, $0x100;
	v13 =	vshll.u32 @!p0 v13, $0x7  }
0x5d: {  	v13 =	vor.u32 @!p0 v19, v13;
	_ =	sdelay $0x4  }
0x5e: {  	[tilespmem:v13+s21+$0x0] =	vst.idx.msk @!p0 vm0, v11  }
0x5f: {  	v13 =	vld @!p0 [tilespmem:s20+$0xFFFFFF70];
	_ =	sdelay $0x4  }
0x60: {  	v13 =	vsub.s32 @!p0 v13, v0  }
0x61: {  	v20 =	vor.u32 @!p0 $0x70, v12;
	vm0 =	vlt.u32 @!p0 v13, $0x100;
	v13 =	vshll.u32 @!p0 v13, $0x7  }
0x62: {  	v13 =	vor.u32 @!p0 v20, v13;
	_ =	sdelay $0x2  }
0x63: {  	s20 =	smov.u32 s17  }
0x64: {  	s20 =	simm.s32 @p0 $0x0  }
0x65: {  	s20 =	sshra.s32 s20, $0x2;
	[tilespmem:v13+s21+$0x0] =	vst.idx.msk @!p0 vm0, v11  }
0x66: {  	v13 =	vld [tilespmem:s20+$0x0];
	_ =	sdelay $0x4  }
0x67: {  	v13 =	vsub.s32 v13, v0  }
0x68: {  	vm12 =	vlt.u32 v13, $0x100;
	v13 =	vshll.u32 v13, $0x7  }
0x69: {  	v13 =	vor.u32 v1, v13;
	_ =	sdelay $0x4  }
0x6a: {  	[tilespmem:v13+s12+$0x0] =	vst.idx.msk vm12, v3  }
0x6b: {  	v13 =	vld [tilespmem:s20+$0x10];
	_ =	sdelay $0x4  }
0x6c: {  	v13 =	vsub.s32 v13, v0  }
0x6d: {  	vm13 =	vlt.u32 v13, $0x100;
	v13 =	vshll.u32 v13, $0x7  }
0x6e: {  	v13 =	vor.u32 v4, v13;
	_ =	sdelay $0x4  }
0x6f: {  	[tilespmem:v13+s12+$0x0] =	vst.idx.msk vm13, v3  }
0x70: {  	v13 =	vld [tilespmem:s20+$0x20];
	_ =	sdelay $0x4  }
0x71: {  	v13 =	vsub.s32 v13, v0  }
0x72: {  	vm14 =	vlt.u32 v13, $0x100;
	v13 =	vshll.u32 v13, $0x7  }
0x73: {  	v13 =	vor.u32 v5, v13;
	_ =	sdelay $0x4  }
0x74: {  	[tilespmem:v13+s12+$0x0] =	vst.idx.msk vm14, v3  }
0x75: {  	v13 =	vld [tilespmem:s20+$0x30];
	_ =	sdelay $0x4  }
0x76: {  	v13 =	vsub.s32 v13, v0  }
0x77: {  	vm15 =	vlt.u32 v13, $0x100;
	v13 =	vshll.u32 v13, $0x7  }
0x78: {  	v13 =	vor.u32 v6, v13;
	_ =	sdelay $0x4  }
0x79: {  	[tilespmem:v13+s12+$0x0] =	vst.idx.msk vm15, v3  }
0x7a: {  	v13 =	vld [tilespmem:s20+$0x40];
	_ =	sdelay $0x4  }
0x7b: {  	v13 =	vsub.s32 v13, v0  }
0x7c: {  	vm4 =	vlt.u32 v13, $0x100;
	v13 =	vshll.u32 v13, $0x7  }
0x7d: {  	v13 =	vor.u32 v7, v13;
	_ =	sdelay $0x4  }
0x7e: {  	[tilespmem:v13+s12+$0x0] =	vst.idx.msk vm4, v3  }
0x7f: {  	v13 =	vld [tilespmem:s20+$0x50];
	_ =	sdelay $0x4  }
0x80: {  	v13 =	vsub.s32 v13, v0  }
0x81: {  	vm5 =	vlt.u32 v13, $0x100;
	v13 =	vshll.u32 v13, $0x7  }
0x82: {  	v13 =	vor.u32 v8, v13;
	_ =	sdelay $0x4  }
0x83: {  	[tilespmem:v13+s12+$0x0] =	vst.idx.msk vm5, v3  }
0x84: {  	v13 =	vld [tilespmem:s20+$0x60];
	_ =	sdelay $0x4  }
0x85: {  	v13 =	vsub.s32 v13, v0  }
0x86: {  	vm6 =	vlt.u32 v13, $0x100;
	v13 =	vshll.u32 v13, $0x7  }
0x87: {  	v13 =	vor.u32 v9, v13;
	_ =	sdelay $0x4  }
0x88: {  	[tilespmem:v13+s12+$0x0] =	vst.idx.msk vm6, v3  }
0x89: {  	v13 =	vld [tilespmem:s20+$0x70];
	_ =	sdelay $0x4  }
0x8a: {  	v13 =	vsub.s32 v13, v0  }
0x8b: {  	vm7 =	vlt.u32 v13, $0x100;
	v13 =	vshll.u32 v13, $0x7  }
0x8c: {  	v13 =	vor.u32 v10, v13;
	_ =	sdelay $0x4  }
0x8d: {  	s21 =	simm.s32 @!p0 $0x2;
	[tilespmem:v13+s12+$0x0] =	vst.idx.msk vm7, v3  }
0x8e: {  	[hbm4b:s18+s8] =	stream.strided.scatter [tilespmem:s12], [sflag:$0x1], $0x8000, s9, s8, $0x38;
	[tilespmem:$0x11C00] =	vst v63  }
0x8f: {  	_ =	swait.ge @!p0 [sflag:s21], $0x8000  }
0x90: {  	[sflag:s21] =	ssyncset.done @!p0 $0x0  }
0x91: {  	[sflag:s21] =	ssyncadd.s32 @!p0 $0xFFFF8000  }
0x92: {  	v13 =	vld @!p0 [tilespmem:s20+$0xFFFFFF80];
	_ =	sdelay $0x4  }
0x93: {  	v13 =	vsub.s32 @!p0 v13, v0  }
0x94: {  	vm0 =	vlt.u32 @!p0 v13, $0x100;
	v13 =	vshll.u32 @!p0 v13, $0x7  }
0x95: {  	v12 =	vor.u32 @!p0 v12, v13;
	_ =	sdelay $0x3  }
0x96: {  	s21 =	simm.s32 @!p0 $0x9C00  }
0x97: {  	[tilespmem:v12+s21+$0x0] =	vst.idx.msk @!p0 vm0, v11  }
0x98: {  	v12 =	vld @!p0 [tilespmem:s20+$0xFFFFFF90];
	_ =	sdelay $0x4  }
0x99: {  	v12 =	vsub.s32 @!p0 v12, v0  }
0x9a: {  	vm0 =	vlt.u32 @!p0 v12, $0x100;
	v12 =	vshll.u32 @!p0 v12, $0x7  }
0x9b: {  	v12 =	vor.u32 @!p0 v14, v12;
	_ =	sdelay $0x4  }
0x9c: {  	[tilespmem:v12+s21+$0x0] =	vst.idx.msk @!p0 vm0, v11  }
0x9d: {  	v12 =	vld @!p0 [tilespmem:s20+$0xFFFFFFA0];
	_ =	sdelay $0x4  }
0x9e: {  	v12 =	vsub.s32 @!p0 v12, v0  }
0x9f: {  	vm0 =	vlt.u32 @!p0 v12, $0x100;
	v12 =	vshll.u32 @!p0 v12, $0x7  }
0xa0: {  	v12 =	vor.u32 @!p0 v15, v12;
	_ =	sdelay $0x4  }
0xa1: {  	[tilespmem:v12+s21+$0x0] =	vst.idx.msk @!p0 vm0, v11  }
0xa2: {  	v12 =	vld @!p0 [tilespmem:s20+$0xFFFFFFB0];
	_ =	sdelay $0x4  }
0xa3: {  	v12 =	vsub.s32 @!p0 v12, v0  }
0xa4: {  	vm0 =	vlt.u32 @!p0 v12, $0x100;
	v12 =	vshll.u32 @!p0 v12, $0x7  }
0xa5: {  	v12 =	vor.u32 @!p0 v16, v12;
	_ =	sdelay $0x4  }
0xa6: {  	[tilespmem:v12+s21+$0x0] =	vst.idx.msk @!p0 vm0, v11  }
0xa7: {  	v12 =	vld @!p0 [tilespmem:s20+$0xFFFFFFC0];
	_ =	sdelay $0x4  }
0xa8: {  	v12 =	vsub.s32 @!p0 v12, v0  }
0xa9: {  	vm0 =	vlt.u32 @!p0 v12, $0x100;
	v12 =	vshll.u32 @!p0 v12, $0x7  }
0xaa: {  	v12 =	vor.u32 @!p0 v17, v12;
	_ =	sdelay $0x4  }
0xab: {  	[tilespmem:v12+s21+$0x0] =	vst.idx.msk @!p0 vm0, v11  }
0xac: {  	v12 =	vld @!p0 [tilespmem:s20+$0xFFFFFFD0];
	_ =	sdelay $0x4  }
0xad: {  	v12 =	vsub.s32 @!p0 v12, v0  }
0xae: {  	vm0 =	vlt.u32 @!p0 v12, $0x100;
	v12 =	vshll.u32 @!p0 v12, $0x7  }
0xaf: {  	v12 =	vor.u32 @!p0 v18, v12;
	_ =	sdelay $0x4  }
0xb0: {  	[tilespmem:v12+s21+$0x0] =	vst.idx.msk @!p0 vm0, v11  }
0xb1: {  	v12 =	vld @!p0 [tilespmem:s20+$0xFFFFFFE0];
	_ =	sdelay $0x4  }
0xb2: {  	v12 =	vsub.s32 @!p0 v12, v0  }
0xb3: {  	vm0 =	vlt.u32 @!p0 v12, $0x100;
	v12 =	vshll.u32 @!p0 v12, $0x7  }
0xb4: {  	v12 =	vor.u32 @!p0 v19, v12;
	_ =	sdelay $0x4  }
0xb5: {  	[tilespmem:v12+s21+$0x0] =	vst.idx.msk @!p0 vm0, v11  }
0xb6: {  	v12 =	vld @!p0 [tilespmem:s20+$0xFFFFFFF0];
	_ =	sdelay $0x4  }
0xb7: {  	v12 =	vsub.s32 @!p0 v12, v0  }
0xb8: {  	vm0 =	vlt.u32 @!p0 v12, $0x100;
	v12 =	vshll.u32 @!p0 v12, $0x7  }
0xb9: {  	v12 =	vor.u32 @!p0 v20, v12;
	_ =	sdelay $0x4  }
0xba: {  	s31 =	sshra.s32 s17, $0x2;
	[tilespmem:v12+s21+$0x0] =	vst.idx.msk @!p0 vm0, v11  }
0xbb: {  	v11 =	vld [tilespmem:s31+$0x80];
	_ =	sdelay $0x4  }
0xbc: {  	v11 =	vsub.s32 v11, v0  }
0xbd: {  	vm8 =	vlt.u32 v11, $0x100;
	v11 =	vshll.u32 v11, $0x7  }
0xbe: {  	v11 =	vor.u32 v1, v11;
	_ =	sdelay $0x4  }
0xbf: {  	[tilespmem:v11+s13+$0x0] =	vst.idx.msk vm8, v3  }
0xc0: {  	v11 =	vld [tilespmem:s31+$0x90];
	_ =	sdelay $0x4  }
0xc1: {  	v11 =	vsub.s32 v11, v0  }
0xc2: {  	vm9 =	vlt.u32 v11, $0x100;
	v11 =	vshll.u32 v11, $0x7  }
0xc3: {  	v11 =	vor.u32 v4, v11;
	_ =	sdelay $0x4  }
0xc4: {  	[tilespmem:v11+s13+$0x0] =	vst.idx.msk vm9, v3  }
0xc5: {  	v11 =	vld [tilespmem:s31+$0xA0];
	_ =	sdelay $0x4  }
0xc6: {  	v11 =	vsub.s32 v11, v0  }
0xc7: {  	vm10 =	vlt.u32 v11, $0x100;
	v11 =	vshll.u32 v11, $0x7  }
0xc8: {  	v11 =	vor.u32 v5, v11;
	_ =	sdelay $0x4  }
0xc9: {  	[tilespmem:v11+s13+$0x0] =	vst.idx.msk vm10, v3  }
0xca: {  	v11 =	vld [tilespmem:s31+$0xB0];
	_ =	sdelay $0x4  }
0xcb: {  	v11 =	vsub.s32 v11, v0  }
0xcc: {  	vm11 =	vlt.u32 v11, $0x100;
	v11 =	vshll.u32 v11, $0x7  }
0xcd: {  	v11 =	vor.u32 v6, v11;
	_ =	sdelay $0x4  }
0xce: {  	[tilespmem:v11+s13+$0x0] =	vst.idx.msk vm11, v3  }
0xcf: {  	v11 =	vld [tilespmem:s31+$0xC0];
	_ =	sdelay $0x4  }
0xd0: {  	v11 =	vsub.s32 v11, v0  }
0xd1: {  	vm12 =	vlt.u32 v11, $0x100;
	v11 =	vshll.u32 v11, $0x7  }
0xd2: {  	v11 =	vor.u32 v7, v11;
	_ =	sdelay $0x4  }
0xd3: {  	[tilespmem:v11+s13+$0x0] =	vst.idx.msk vm12, v3  }
0xd4: {  	v11 =	vld [tilespmem:s31+$0xD0];
	_ =	sdelay $0x4  }
0xd5: {  	v11 =	vsub.s32 v11, v0  }
0xd6: {  	vm13 =	vlt.u32 v11, $0x100;
	v11 =	vshll.u32 v11, $0x7  }
0xd7: {  	v11 =	vor.u32 v8, v11;
	_ =	sdelay $0x4  }
0xd8: {  	[tilespmem:v11+s13+$0x0] =	vst.idx.msk vm13, v3  }
0xd9: {  	v11 =	vld [tilespmem:s31+$0xE0];
	_ =	sdelay $0x4  }
0xda: {  	v11 =	vsub.s32 v11, v0  }
0xdb: {  	vm14 =	vlt.u32 v11, $0x100;
	v11 =	vshll.u32 v11, $0x7  }
0xdc: {  	v11 =	vor.u32 v9, v11;
	_ =	sdelay $0x4  }
0xdd: {  	[tilespmem:v11+s13+$0x0] =	vst.idx.msk vm14, v3  }
0xde: {  	v11 =	vld [tilespmem:s31+$0xF0];
	_ =	sdelay $0x4  }
0xdf: {  	v11 =	vsub.s32 v11, v0  }
0xe0: {  	vm15 =	vlt.u32 v11, $0x100;
	v11 =	vshll.u32 v11, $0x7  }
0xe1: {  	v11 =	vor.u32 v10, v11  }
0xe2: {  	s17 =	sadd.s32 $0x400, s17  }
0xe3: {  	p0 =	sne.s32 s17, $0x6400  }
.Ltmp2:
0xe4: {  	_ = 	snop;
	(pc) =	sbr.rel @p0 .LBB2_6-.Ltmp2, $4  }
0xe5: {  	_ = 	snop  }
0xe6: {  	[tilespmem:v11+s13+$0x0] =	vst.idx.msk vm15, v3  }
0xe7: {  	[hbm4b:s19+s8] =	stream.strided.scatter [tilespmem:s13], [sflag:$0x2], $0x8000, s9, s8, $0x38;
	[tilespmem:$0x11C00] =	vst v63  }
0xe8: {  	s18 =	sadd.s32 $0x3E800, s18;
	s19 =	sadd.s32 $0x3E800, s19  }
0xe9: {  	s16 =	sadd.s32 $0x1, s16  }
0xea: {  	_ =	swait.ge [sflag:s14], $0x8000;
	p0 =	sne.s32 s16, s5  }
.Ltmp3:
0xeb: {  	[sflag:s14] =	ssyncset.done $0x0;
	(pc) =	sbr.rel @p0 .LBB2_1-.Ltmp3, $4  }
0xec: {  	[sflag:s14] =	ssyncadd.s32 $0xFFFF8000  }
0xed: {  	_ =	swait.ge [sflag:s15], $0x8000  }
0xee: {  	[sflag:s15] =	ssyncset.done $0x0  }
0xef: {  	[sflag:s15] =	ssyncadd.s32 $0xFFFF8000  }
0xf0: {  	_ =	sfence.sel $0x180000  }
0xf1: {  	[bflag:$0x0] =	sbarrier.arrive $0xFFFF  }
0xf2: {  	p0 =	sne.s32 s1, $0x0;
	_ =	strace $0x90000047  }
0xf3: {  	s0 =	sadd.s32 @!p0 $0x100000, s0;
	[bflag:$0x2] =	sbarrier.arrive $0xFFFF  }
0xf4: {  	[sflag:s0] =	ssyncadd.tile.s32 @!p0 $0x1;
	_ =	shalt  }
.Lfunc_end2:
_tile_overlayer_lowered:
.L_overlay_start_2:
0xf5: {  	(tag) =	ssettag $0x2  }
0xf6: {  	s0 =	rddreg [dreg:$0x0];
	s2 =	stileid.u32  }
0xf7: {  	s1 =	rddreg [dreg:$0x1];
	p0 =	sne.s32 s2, $0x0  }
0xf8: {  	s3 =	rddreg [dreg:$0x2];
	[bflag:$0x3] =	sbarrier.arrive $0xFFFF;
	s2 =	simm.s32 @!p0 $0x1C03  }
0xf9: {  	[timem:s3], [sflag:s2] =	dma.local @!p0 [hbm:s0], s1  }
0xfa: {  	s0 =	simm.s32 @!p0 $0x3  }
0xfb: {  	_ =	swait.ge @!p0 [sflag:s0], s1  }
0xfc: {  	s1 =	ssub.s32 @!p0 $0x0, s1;
	[sflag:s0] =	ssyncset.done @!p0 $0x0  }
0xfd: {  	[sflag:s0] =	ssyncadd.s32 @!p0 s1  }
0xfe: {  	[bflag:$0x3] =	sbarrier.arrive $0xFFFF  }
0xff: {  	_ =	shalt  }

</sc_bundles>
